<compile_context>
chip_gen: v7x
topology: tpu7x:2x2x1
jax: 0.10.2.dev20260603
libtpu: 0.0.44.dev20260713+nightly
codegen_flags: <defaults>
</compile_context>

<pallas_src>
import functools

import jax
import jax.numpy as jnp
from jax import lax
from jax.experimental import pallas as pl
from jax.experimental.pallas import tpu as pltpu
from jax.experimental.pallas import tpu_sc as plsc

NC = 2
NS = 16
NW = NC * NS


def _dense1_body(x_ref, ws_ref, wr_ref, ps_ref, pr_ref):
    x = x_ref[...]
    ps_ref[...] = jnp.dot(x, ws_ref[...], preferred_element_type=jnp.float32)
    pr_ref[...] = jnp.dot(x, wr_ref[...], preferred_element_type=jnp.float32)


def _dense1(node_feats, we_s, we_r):
    n, d = node_feats.shape
    blk = 1000
    grid = (n // blk,)
    return pl.pallas_call(
        _dense1_body,
        grid=grid,
        in_specs=[
            pl.BlockSpec((blk, d), lambda i: (i, 0)),
            pl.BlockSpec((d, d), lambda i: (0, 0)),
            pl.BlockSpec((d, d), lambda i: (0, 0)),
        ],
        out_specs=[
            pl.BlockSpec((blk, d), lambda i: (i, 0)),
            pl.BlockSpec((blk, d), lambda i: (i, 0)),
        ],
        out_shape=[
            jax.ShapeDtypeStruct((n, d), jnp.float32),
            jax.ShapeDtypeStruct((n, d), jnp.float32),
        ],
    )(node_feats, we_s, we_r)


def _make_gather(n_edges, n_nodes, d):
    per_w = n_edges // NW
    ch = 40
    n_ch = per_w // ch
    assert n_ch % 2 == 0
    n_grp = n_ch // 2
    mesh = plsc.VectorSubcoreMesh(
        core_axis_name="c", subcore_axis_name="s", num_cores=NC, num_subcores=NS)

    @functools.partial(
        pl.kernel,
        mesh=mesh,
        out_type=jax.ShapeDtypeStruct((n_edges, d), jnp.float32),
        scratch_types=[
            pltpu.VMEM((per_w,), jnp.int32),
            pltpu.VMEM((per_w,), jnp.int32),
            pltpu.VMEM((ch, d), jnp.float32),
            pltpu.VMEM((ch, d), jnp.float32),
            pltpu.VMEM((ch, d), jnp.float32),
            pltpu.VMEM((ch, d), jnp.float32),
            pltpu.VMEM((ch, d), jnp.float32),
            pltpu.VMEM((ch, d), jnp.float32),
            pltpu.SemaphoreType.DMA,
            pltpu.SemaphoreType.DMA,
            pltpu.SemaphoreType.DMA,
            pltpu.SemaphoreType.DMA,
            pltpu.SemaphoreType.DMA,
            pltpu.SemaphoreType.DMA,
        ],
    )
    def gather(ps_hbm, pr_hbm, s_hbm, r_hbm, g_hbm,
               idx_s, idx_r, rs0, rs1, rr0, rr1, go0, go1,
               sem_s0, sem_s1, sem_r0, sem_r1, sem_w0, sem_w1):
        wid = lax.axis_index("s") * NC + lax.axis_index("c")
        base = wid * per_w

        pltpu.sync_copy(s_hbm.at[pl.ds(base, per_w)], idx_s)
        pltpu.sync_copy(r_hbm.at[pl.ds(base, per_w)], idx_r)

        def fire(c, rs, rr, sem_a, sem_b):
            off = c * ch
            pltpu.async_copy(ps_hbm.at[idx_s.at[pl.ds(off, ch)]], rs, sem_a)
            pltpu.async_copy(pr_hbm.at[idx_r.at[pl.ds(off, ch)]], rr, sem_b)

        def drain(rs, rr, sem_a, sem_b):
            pltpu.make_async_copy(ps_hbm.at[idx_s.at[pl.ds(0, ch)]], rs, sem_a).wait()
            pltpu.make_async_copy(pr_hbm.at[idx_r.at[pl.ds(0, ch)]], rr, sem_b).wait()

        def add(rs, rr, go):
            def row(j, carry):
                for k in range(d // 16):
                    sl = pl.ds(k * 16, 16)
                    go[j, sl] = rs[j, sl] + rr[j, sl]
                return carry

            lax.fori_loop(0, ch, row, 0)

        def fire_write(c, go, sem_w):
            pltpu.async_copy(go, g_hbm.at[pl.ds(base + c * ch, ch)], sem_w)

        def wait_write(go, sem_w):
            pltpu.make_async_copy(go, g_hbm.at[pl.ds(0, ch)], sem_w).wait()

        fire(0, rs0, rr0, sem_s0, sem_r0)

        def group(p, carry):
            c0 = 2 * p
            fire(c0 + 1, rs1, rr1, sem_s1, sem_r1)
            drain(rs0, rr0, sem_s0, sem_r0)

            @pl.when(p > 0)
            def _():
                wait_write(go0, sem_w0)

            add(rs0, rr0, go0)
            fire_write(c0, go0, sem_w0)

            @pl.when(p < n_grp - 1)
            def _():
                fire(c0 + 2, rs0, rr0, sem_s0, sem_r0)

            drain(rs1, rr1, sem_s1, sem_r1)

            @pl.when(p > 0)
            def _():
                wait_write(go1, sem_w1)

            add(rs1, rr1, go1)
            fire_write(c0 + 1, go1, sem_w1)
            return carry

        lax.fori_loop(0, n_grp, group, 0)
        wait_write(go0, sem_w0)
        wait_write(go1, sem_w1)

    return gather


def _edge_body(e_ref, we_ref, b_ref, g_ref, o_ref):
    o_ref[...] = (
        jnp.dot(e_ref[...], we_ref[...], preferred_element_type=jnp.float32)
        + b_ref[...] + g_ref[...])


def _edge_out(edge_feats, we_e, be, g):
    m, de = edge_feats.shape
    d = we_e.shape[1]
    blk = 4000
    grid = (m // blk,)
    return pl.pallas_call(
        _edge_body,
        grid=grid,
        in_specs=[
            pl.BlockSpec((blk, de), lambda i: (i, 0)),
            pl.BlockSpec((de, d), lambda i: (0, 0)),
            pl.BlockSpec((1, d), lambda i: (0, 0)),
            pl.BlockSpec((blk, d), lambda i: (i, 0)),
        ],
        out_specs=pl.BlockSpec((blk, d), lambda i: (i, 0)),
        out_shape=jax.ShapeDtypeStruct((m, d), jnp.float32),
    )(edge_feats, we_e, be, g)


def _make_scatter(n_edges, n_nodes, d):
    per_t = n_edges // NS
    ch = 80
    n_ch = per_t // ch
    assert n_ch % 2 == 0
    n_grp = n_ch // 2
    rows_t = -(n_nodes // -NS)
    rows_t += (-rows_t) % ch
    rows_last = n_nodes - (NS - 1) * rows_t
    assert rows_last > 0 and rows_last % 8 == 0
    assert rows_t % ch == 0 and rows_last % ch == 0
    n_init, n_init_last = rows_t // ch, rows_last // ch
    mesh = plsc.VectorSubcoreMesh(
        core_axis_name="c", subcore_axis_name="s", num_cores=NC, num_subcores=NS)

    @functools.partial(
        pl.kernel,
        mesh=mesh,
        out_type=jax.ShapeDtypeStruct((NC, n_nodes, d), jnp.float32),
        scratch_types=[
            pltpu.VMEM((ch,), jnp.int32),
            pltpu.VMEM((ch,), jnp.int32),
            pltpu.VMEM((ch, d), jnp.float32),
            pltpu.VMEM((ch, d), jnp.float32),
            pltpu.VMEM_SHARED((n_nodes, d), jnp.float32),
            pltpu.SemaphoreType.DMA,
            pltpu.SemaphoreType.DMA,
            pltpu.SemaphoreType.DMA,
            pltpu.SemaphoreType.DMA,
        ],
    )
    def scatter(ne_hbm, idx_hbm, z_hbm, agg_hbm,
                idx0, idx1, buf0, buf1, acc_sh,
                sem_l0, sem_l1, sem_c0, sem_c1):
        cid = lax.axis_index("c")
        sid = lax.axis_index("s")
        row0 = sid * rows_t
        n_my = lax.select(sid == NS - 1, n_init_last, n_init)

        def init_chunk(j, carry):
            r0 = row0 + j * ch
            pltpu.sync_copy(z_hbm.at[pl.ds(r0, ch)], buf0)
            pltpu.sync_copy(buf0, acc_sh.at[pl.ds(r0, ch)])
            return carry

        lax.fori_loop(0, n_my, init_chunk, 0)
        plsc.subcore_barrier()

        ebase = sid * per_t
        ibase = cid * n_edges + ebase

        def fire_loads(c, idx_v, buf_v, sem_l):
            off = c * ch
            pltpu.async_copy(idx_hbm.at[pl.ds(ibase + off, ch)], idx_v, sem_l)
            pltpu.async_copy(ne_hbm.at[pl.ds(ebase + off, ch)], buf_v, sem_l)

        def wait_loads(idx_v, buf_v, sem_l):
            pltpu.make_async_copy(idx_hbm.at[pl.ds(0, ch)], idx_v, sem_l).wait()
            pltpu.make_async_copy(ne_hbm.at[pl.ds(0, ch)], buf_v, sem_l).wait()

        def fire_scatter(idx_v, buf_v, sem_c):
            pltpu.async_copy(buf_v, acc_sh.at[idx_v], sem_c, add=True)

        def wait_scatter(buf_v, sem_c):
            pltpu.make_async_copy(ne_hbm.at[pl.ds(0, ch)], buf_v, sem_c).wait()

        fire_loads(0, idx0, buf0, sem_l0)

        def group(p, carry):
            c0 = 2 * p

            @pl.when(p > 0)
            def _():
                wait_scatter(buf1, sem_c1)

            fire_loads(c0 + 1, idx1, buf1, sem_l1)
            wait_loads(idx0, buf0, sem_l0)
            fire_scatter(idx0, buf0, sem_c0)
            wait_loads(idx1, buf1, sem_l1)
            fire_scatter(idx1, buf1, sem_c1)
            wait_scatter(buf0, sem_c0)

            @pl.when(p < n_grp - 1)
            def _():
                fire_loads(c0 + 2, idx0, buf0, sem_l0)

            return carry

        lax.fori_loop(0, n_grp, group, 0)
        wait_scatter(buf1, sem_c1)
        plsc.subcore_barrier()

        def wb_chunk(j, carry):
            r0 = row0 + j * ch
            pltpu.sync_copy(acc_sh.at[pl.ds(r0, ch)], buf0)
            pltpu.sync_copy(buf0, agg_hbm.at[cid, pl.ds(r0, ch)])
            return carry

        lax.fori_loop(0, n_my, wb_chunk, 0)

    return scatter


def _dense2_body(x_ref, a_ref, wn_ref, ws_ref, wr_ref, b_ref, o_ref):
    o_ref[...] = (
        jnp.dot(x_ref[...], wn_ref[...], preferred_element_type=jnp.float32)
        + jnp.dot(a_ref[0], ws_ref[...], preferred_element_type=jnp.float32)
        + jnp.dot(a_ref[1], wr_ref[...], preferred_element_type=jnp.float32)
        + b_ref[...])


def _dense2(node_feats, agg, wn_n, wn_s, wn_r, bn):
    n, d = node_feats.shape
    blk = 1000
    grid = (n // blk,)
    row = pl.BlockSpec((blk, d), lambda i: (i, 0))
    prow = pl.BlockSpec((NC, blk, d), lambda i: (0, i, 0))
    w = pl.BlockSpec((d, d), lambda i: (0, 0))
    return pl.pallas_call(
        _dense2_body,
        grid=grid,
        in_specs=[row, prow, w, w, w, pl.BlockSpec((1, d), lambda i: (0, 0))],
        out_specs=pl.BlockSpec((blk, d), lambda i: (i, 0)),
        out_shape=jax.ShapeDtypeStruct((n, d), jnp.float32),
    )(node_feats, agg, wn_n, wn_s, wn_r, bn)


def kernel(node_feats, edge_feats, senders, receivers, We, be, Wn, bn):
    n_nodes, d = node_feats.shape
    n_edges, d_edge = edge_feats.shape

    we_e = We[:d_edge]
    we_s = We[d_edge:d_edge + d]
    we_r = We[d_edge + d:]
    wn_n = Wn[:d]
    wn_s = Wn[d:2 * d]
    wn_r = Wn[2 * d:]

    p_s, p_r = _dense1(node_feats, we_s, we_r)
    g = _make_gather(n_edges, n_nodes, d)(p_s, p_r, senders, receivers)
    new_edge = _edge_out(edge_feats, we_e, be.reshape(1, d), g)
    zeros = jnp.zeros((n_nodes, d), jnp.float32)
    idx_cat = jnp.concatenate([senders, receivers])
    agg = _make_scatter(n_edges, n_nodes, d)(new_edge, idx_cat, zeros)
    new_node = _dense2(node_feats, agg, wn_n, wn_s, wn_r, bn.reshape(1, d))
    return (new_edge, new_node)

# --- scband reference (transcript-rebuilt; emitter-appended) ---
"""Pipeline reference for scband-graph-network-75239237091740 (READ-ONLY COPY).

The authoritative reference and input builder live on the scoring server;
editing this copy changes nothing except your own understanding.
"""

import jax, jax.numpy as jnp
import numpy as np

N_NODES = 10000
N_EDGES = 320000
D_FEAT = 128
D_EDGE = 16


def setup_inputs(seed: int = 0) -> dict:
    key = jax.random.key(seed)
    ks = jax.random.split(key, 8)
    node_feats = jax.random.normal(ks[0], (N_NODES, D_FEAT), dtype=jnp.float32)
    edge_feats = jax.random.normal(ks[1], (N_EDGES, D_EDGE), dtype=jnp.float32)
    senders = jax.random.randint(ks[2], (N_EDGES,), 0, N_NODES, dtype=jnp.int32)
    receivers = jax.random.randint(ks[3], (N_EDGES,), 0, N_NODES, dtype=jnp.int32)
    # Learned parameters for the typed edge/node update fns (single Linear each).
    d_edge_in = D_EDGE + D_FEAT + D_FEAT  # edge feats + sent attrs + received attrs
    d_node_in = D_FEAT + D_FEAT + D_FEAT  # node feats + sent agg + received agg
    We = jax.random.normal(ks[4], (d_edge_in, D_FEAT), dtype=jnp.float32) / np.sqrt(d_edge_in)
    be = jnp.zeros((D_FEAT,), dtype=jnp.float32)
    Wn = jax.random.normal(ks[5], (d_node_in, D_FEAT), dtype=jnp.float32) / np.sqrt(d_node_in)
    bn = jnp.zeros((D_FEAT,), dtype=jnp.float32)
    return {"node_feats": node_feats, "edge_feats": edge_feats, "senders": senders,
            "receivers": receivers, "We": We, "be": be, "Wn": Wn, "bn": bn}


def reference(node_feats, edge_feats, senders, receivers, We, be, Wn, bn):
    n_nodes = node_feats.shape[0]
    # --- _edge_update: gather sender/receiver node attrs, apply edge_fn ---
    sent_attributes = jnp.take(node_feats, senders, axis=0)
    received_attributes = jnp.take(node_feats, receivers, axis=0)
    edge_inputs = jnp.concatenate([edge_feats, sent_attributes, received_attributes], axis=-1)
    new_edge_feats = edge_inputs @ We + be
    # --- _node_update: aggregate edges sent by and received by each node (segment_sum) ---
    sent_agg = jax.ops.segment_sum(new_edge_feats, senders, num_segments=n_nodes)
    received_agg = jax.ops.segment_sum(new_edge_feats, receivers, num_segments=n_nodes)
    node_inputs = jnp.concatenate([node_feats, sent_agg, received_agg], axis=-1)
    new_node_feats = node_inputs @ Wn + bn
    # update_global_fn is None -> no globals update
    return (new_edge_feats, new_node_feats)

if __name__ == "__main__":
    import jax
    _d = setup_inputs()
    print(jax.jit(kernel)(*tuple(_d.values())))

</pallas_src>

<mosaic_0001>
#map = affine_map<(d0, d1) -> (0, 0)>
#map1 = affine_map<(d0, d1) -> (0)>
module attributes {stable_mosaic.version = 14 : i64} {
  func.func @gather(%arg0: i32, %arg1: i32, %arg2: memref<10000x128xf32, #tpu.memory_space<hbm>>, %arg3: memref<10000x128xf32, #tpu.memory_space<hbm>>, %arg4: memref<320000xi32, #tpu.memory_space<hbm>>, %arg5: memref<320000xi32, #tpu.memory_space<hbm>>, %arg6: memref<320000x128xf32, #tpu.memory_space<hbm>>, %arg7: memref<10000xi32, #tpu.memory_space<vmem>>, %arg8: memref<10000xi32, #tpu.memory_space<vmem>>, %arg9: memref<40x128xf32, #tpu.memory_space<vmem>>, %arg10: memref<40x128xf32, #tpu.memory_space<vmem>>, %arg11: memref<40x128xf32, #tpu.memory_space<vmem>>, %arg12: memref<40x128xf32, #tpu.memory_space<vmem>>, %arg13: memref<40x128xf32, #tpu.memory_space<vmem>>, %arg14: memref<40x128xf32, #tpu.memory_space<vmem>>, %arg15: memref<!tpu.dma_semaphore, #tpu.memory_space<semaphore_mem>>, %arg16: memref<!tpu.dma_semaphore, #tpu.memory_space<semaphore_mem>>, %arg17: memref<!tpu.dma_semaphore, #tpu.memory_space<semaphore_mem>>, %arg18: memref<!tpu.dma_semaphore, #tpu.memory_space<semaphore_mem>>, %arg19: memref<!tpu.dma_semaphore, #tpu.memory_space<semaphore_mem>>, %arg20: memref<!tpu.dma_semaphore, #tpu.memory_space<semaphore_mem>>) attributes {dimension_semantics = [#tpu.dimension_semantics<core_parallel>, #tpu.dimension_semantics<subcore_parallel>], iteration_bounds = array<i64: 2, 16>, scalar_prefetch = 0 : i64, scratch_operands = 14 : i64, tpu.core_type = #tpu.core_type<sc_vector_subcore>, window_params = [{transform_indices = #map}, {transform_indices = #map}, {transform_indices = #map1}, {transform_indices = #map1}, {transform_indices = #map}]} {
    %mul3A = arith.constant 2 : i32
    %mul3A_0 = arith.muli %arg1, %mul3A : i32
    %add3A = arith.addi %mul3A_0, %arg0 : i32
    %mul3A_1 = arith.constant 10000 : i32
    %mul3A_2 = arith.muli %add3A, %mul3A_1 : i32
    "tpu.region"() ({
      %run_scoped3A = tpu.sem_alloc : memref<!tpu.dma_semaphore, #tpu.memory_space<semaphore_mem>>
      %dma_start3A_28 = tpu.memref_slice %arg4[%mul3A_2] : memref<320000xi32, #tpu.memory_space<hbm>> -> memref<10000xi32, #tpu.memory_space<hbm>>
      %dma_start3A_29 = tpu.memref_slice %arg4[%mul3A_2] : memref<320000xi32, #tpu.memory_space<hbm>> -> memref<10000xi32, #tpu.memory_space<hbm>>
      tpu.enqueue_dma source(%dma_start3A_29 : memref<10000xi32, #tpu.memory_space<hbm>>) target(%arg7 : memref<10000xi32, #tpu.memory_space<vmem>>) target_semaphore(%run_scoped3A : memref<!tpu.dma_semaphore, #tpu.memory_space<semaphore_mem>>)
      %dma_wait3A_30 = tpu.memref_slice %arg4[%mul3A_2] : memref<320000xi32, #tpu.memory_space<hbm>> -> memref<10000xi32, #tpu.memory_space<hbm>>
      %dma_wait3A_31 = tpu.memref_slice %arg4[%mul3A_2] : memref<320000xi32, #tpu.memory_space<hbm>> -> memref<10000xi32, #tpu.memory_space<hbm>>
      tpu.wait_dma2 semaphore(%run_scoped3A : memref<!tpu.dma_semaphore, #tpu.memory_space<semaphore_mem>>) src(%dma_wait3A_31 : memref<10000xi32, #tpu.memory_space<hbm>>) dst(%arg7 : memref<10000xi32, #tpu.memory_space<vmem>>)
      tpu.yield
    }) : () -> ()
    "tpu.region"() ({
      %run_scoped3A = tpu.sem_alloc : memref<!tpu.dma_semaphore, #tpu.memory_space<semaphore_mem>>
      %dma_start3A_28 = tpu.memref_slice %arg5[%mul3A_2] : memref<320000xi32, #tpu.memory_space<hbm>> -> memref<10000xi32, #tpu.memory_space<hbm>>
      %dma_start3A_29 = tpu.memref_slice %arg5[%mul3A_2] : memref<320000xi32, #tpu.memory_space<hbm>> -> memref<10000xi32, #tpu.memory_space<hbm>>
      tpu.enqueue_dma source(%dma_start3A_29 : memref<10000xi32, #tpu.memory_space<hbm>>) target(%arg8 : memref<10000xi32, #tpu.memory_space<vmem>>) target_semaphore(%run_scoped3A : memref<!tpu.dma_semaphore, #tpu.memory_space<semaphore_mem>>)
      %dma_wait3A_30 = tpu.memref_slice %arg5[%mul3A_2] : memref<320000xi32, #tpu.memory_space<hbm>> -> memref<10000xi32, #tpu.memory_space<hbm>>
      %dma_wait3A_31 = tpu.memref_slice %arg5[%mul3A_2] : memref<320000xi32, #tpu.memory_space<hbm>> -> memref<10000xi32, #tpu.memory_space<hbm>>
      tpu.wait_dma2 semaphore(%run_scoped3A : memref<!tpu.dma_semaphore, #tpu.memory_space<semaphore_mem>>) src(%dma_wait3A_31 : memref<10000xi32, #tpu.memory_space<hbm>>) dst(%arg8 : memref<10000xi32, #tpu.memory_space<vmem>>)
      tpu.yield
    }) : () -> ()
    %dma_start3A = arith.constant 0 : i32
    %dma_start3A_3 = tpu.memref_slice %arg7[%dma_start3A] : memref<10000xi32, #tpu.memory_space<vmem>> -> memref<40xi32, #tpu.memory_space<vmem>>
    %dma_start3A_4 = arith.constant 0 : i32
    %dma_start3A_5 = arith.constant 0 : i32
    %dma_start3A_6 = tpu.memref_slice %arg2[%dma_start3A_4, %dma_start3A_5] : memref<10000x128xf32, #tpu.memory_space<hbm>> -> memref<10000x128xf32, #tpu.memory_space<hbm>>
    tpu.enqueue_indirect_dma source(%dma_start3A_6 : memref<10000x128xf32, #tpu.memory_space<hbm>>) target(%arg9 : memref<40x128xf32, #tpu.memory_space<vmem>>) offsets(%dma_start3A_3 : memref<40xi32, #tpu.memory_space<vmem>>) semaphore(%arg15 : memref<!tpu.dma_semaphore, #tpu.memory_space<semaphore_mem>>)
    %dma_start3A_7 = arith.constant 0 : i32
    %dma_start3A_8 = tpu.memref_slice %arg8[%dma_start3A_7] : memref<10000xi32, #tpu.memory_space<vmem>> -> memref<40xi32, #tpu.memory_space<vmem>>
    %dma_start3A_9 = arith.constant 0 : i32
    %dma_start3A_10 = arith.constant 0 : i32
    %dma_start3A_11 = tpu.memref_slice %arg3[%dma_start3A_9, %dma_start3A_10] : memref<10000x128xf32, #tpu.memory_space<hbm>> -> memref<10000x128xf32, #tpu.memory_space<hbm>>
    tpu.enqueue_indirect_dma source(%dma_start3A_11 : memref<10000x128xf32, #tpu.memory_space<hbm>>) target(%arg11 : memref<40x128xf32, #tpu.memory_space<vmem>>) offsets(%dma_start3A_8 : memref<40xi32, #tpu.memory_space<vmem>>) semaphore(%arg17 : memref<!tpu.dma_semaphore, #tpu.memory_space<semaphore_mem>>)
    %scan3A = arith.constant 0 : i32
    %scan3A_12 = arith.constant 0 : i32
    %scan3A_13 = arith.constant 125 : i32
    %scan3A_14 = arith.addi %scan3A_12, %scan3A_13 : i32
    %scan3A_15 = arith.constant 1 : i32
    scf.for %scan3A_28 = %scan3A_12 to %scan3A_14 step %scan3A_15  : i32 {
      %mul3A_29 = arith.constant 2 : i32
      %mul3A_30 = arith.muli %mul3A_29, %scan3A_28 : i32
      %add3A_31 = arith.constant 1 : i32
      %add3A_32 = arith.addi %mul3A_30, %add3A_31 : i32
      %mul3A_33 = arith.constant 40 : i32
      %mul3A_34 = arith.muli %add3A_32, %mul3A_33 : i32
      %dma_start3A_35 = tpu.memref_slice %arg7[%mul3A_34] : memref<10000xi32, #tpu.memory_space<vmem>> -> memref<40xi32, #tpu.memory_space<vmem>>
      %dma_start3A_36 = arith.constant 0 : i32
      %dma_start3A_37 = arith.constant 0 : i32
      %dma_start3A_38 = tpu.memref_slice %arg2[%dma_start3A_36, %dma_start3A_37] : memref<10000x128xf32, #tpu.memory_space<hbm>> -> memref<10000x128xf32, #tpu.memory_space<hbm>>
      tpu.enqueue_indirect_dma source(%dma_start3A_38 : memref<10000x128xf32, #tpu.memory_space<hbm>>) target(%arg10 : memref<40x128xf32, #tpu.memory_space<vmem>>) offsets(%dma_start3A_35 : memref<40xi32, #tpu.memory_space<vmem>>) semaphore(%arg16 : memref<!tpu.dma_semaphore, #tpu.memory_space<semaphore_mem>>)
      %dma_start3A_39 = tpu.memref_slice %arg8[%mul3A_34] : memref<10000xi32, #tpu.memory_space<vmem>> -> memref<40xi32, #tpu.memory_space<vmem>>
      %dma_start3A_40 = arith.constant 0 : i32
      %dma_start3A_41 = arith.constant 0 : i32
      %dma_start3A_42 = tpu.memref_slice %arg3[%dma_start3A_40, %dma_start3A_41] : memref<10000x128xf32, #tpu.memory_space<hbm>> -> memref<10000x128xf32, #tpu.memory_space<hbm>>
      tpu.enqueue_indirect_dma source(%dma_start3A_42 : memref<10000x128xf32, #tpu.memory_space<hbm>>) target(%arg12 : memref<40x128xf32, #tpu.memory_space<vmem>>) offsets(%dma_start3A_39 : memref<40xi32, #tpu.memory_space<vmem>>) semaphore(%arg18 : memref<!tpu.dma_semaphore, #tpu.memory_space<semaphore_mem>>)
      %dma_wait3A_43 = arith.constant 0 : i32
      %dma_wait3A_44 = tpu.memref_slice %arg7[%dma_wait3A_43] : memref<10000xi32, #tpu.memory_space<vmem>> -> memref<40xi32, #tpu.memory_space<vmem>>
      %dma_wait3A_45 = arith.constant 0 : i32
      %dma_wait3A_46 = arith.constant 0 : i32
      %dma_wait3A_47 = tpu.memref_slice %arg2[%dma_wait3A_45, %dma_wait3A_46] : memref<10000x128xf32, #tpu.memory_space<hbm>> -> memref<10000x128xf32, #tpu.memory_space<hbm>>
      tpu.wait_indirect_dma semaphore(%arg15 : memref<!tpu.dma_semaphore, #tpu.memory_space<semaphore_mem>>) src(%dma_wait3A_47 : memref<10000x128xf32, #tpu.memory_space<hbm>>) dst(%arg9 : memref<40x128xf32, #tpu.memory_space<vmem>>)
      %dma_wait3A_48 = arith.constant 0 : i32
      %dma_wait3A_49 = tpu.memref_slice %arg8[%dma_wait3A_48] : memref<10000xi32, #tpu.memory_space<vmem>> -> memref<40xi32, #tpu.memory_space<vmem>>
      %dma_wait3A_50 = arith.constant 0 : i32
      %dma_wait3A_51 = arith.constant 0 : i32
      %dma_wait3A_52 = tpu.memref_slice %arg3[%dma_wait3A_50, %dma_wait3A_51] : memref<10000x128xf32, #tpu.memory_space<hbm>> -> memref<10000x128xf32, #tpu.memory_space<hbm>>
      tpu.wait_indirect_dma semaphore(%arg17 : memref<!tpu.dma_semaphore, #tpu.memory_space<semaphore_mem>>) src(%dma_wait3A_52 : memref<10000x128xf32, #tpu.memory_space<hbm>>) dst(%arg11 : memref<40x128xf32, #tpu.memory_space<vmem>>)
      %gt3A = arith.constant 0 : i32
      %gt3A_53 = arith.cmpi sgt, %scan3A_28, %gt3A : i32
      %convert_element_type3A = arith.extui %gt3A_53 : i1 to i32
      %cond3A = arith.constant 0 : i32
      %cond3A_54 = arith.cmpi ne, %convert_element_type3A, %cond3A : i32
      scf.if %cond3A_54 {
        %dma_wait3A_102 = arith.constant 0 : i32
        %dma_wait3A_103 = arith.constant 0 : i32
        %dma_wait3A_104 = tpu.memref_slice %arg6[%dma_wait3A_102, %dma_wait3A_103] : memref<320000x128xf32, #tpu.memory_space<hbm>> -> memref<40x128xf32, #tpu.memory_space<hbm>>
        %dma_wait3A_105 = arith.constant 0 : i32
        %dma_wait3A_106 = arith.constant 0 : i32
        %dma_wait3A_107 = tpu.memref_slice %arg6[%dma_wait3A_105, %dma_wait3A_106] : memref<320000x128xf32, #tpu.memory_space<hbm>> -> memref<40x128xf32, #tpu.memory_space<hbm>>
        tpu.wait_dma2 semaphore(%arg19 : memref<!tpu.dma_semaphore, #tpu.memory_space<semaphore_mem>>) src(%arg13 : memref<40x128xf32, #tpu.memory_space<vmem>>) dst(%dma_wait3A_107 : memref<40x128xf32, #tpu.memory_space<hbm>>)
      } else {
      }
      %scan3A_55 = arith.constant 0 : i32
      %scan3A_56 = arith.constant 0 : i32
      %scan3A_57 = arith.constant 40 : i32
      %scan3A_58 = arith.addi %scan3A_56, %scan3A_57 : i32
      %scan3A_59 = arith.constant 1 : i32
      scf.for %scan3A_102 = %scan3A_56 to %scan3A_58 step %scan3A_59  : i32 {
        %get3A = arith.index_cast %scan3A_102 : i32 to index
        %get3A_103 = arith.constant 0 : index
        %get3A_104 = tpu.vector_load %arg9[%get3A, %get3A_103] {strides = array<i32>} : memref<40x128xf32, #tpu.memory_space<vmem>>, vector<1x16xf32>,
        %get3A_105 = vector.shape_cast %get3A_104 : vector<1x16xf32> to vector<16xf32>
        %get3A_106 = arith.index_cast %scan3A_102 : i32 to index
        %get3A_107 = arith.constant 0 : index
        %get3A_108 = tpu.vector_load %arg11[%get3A_106, %get3A_107] {strides = array<i32>} : memref<40x128xf32, #tpu.memory_space<vmem>>, vector<1x16xf32>,
        %get3A_109 = vector.shape_cast %get3A_108 : vector<1x16xf32> to vector<16xf32>
        %add3A_110 = arith.addf %get3A_105, %get3A_109 : vector<16xf32>
        %swap3A = arith.index_cast %scan3A_102 : i32 to index
        %swap3A_111 = arith.constant 0 : index
        %swap3A_112 = tpu.vector_load %arg13[%swap3A, %swap3A_111] {strides = array<i32>} : memref<40x128xf32, #tpu.memory_space<vmem>>, vector<1x16xf32>,
        %swap3A_113 = vector.shape_cast %swap3A_112 : vector<1x16xf32> to vector<16xf32>
        %swap3A_114 = vector.shape_cast %add3A_110 : vector<16xf32> to vector<1x16xf32>
        tpu.vector_store %arg13[%swap3A, %swap3A_111], %swap3A_114 {strides = array<i32>} : memref<40x128xf32, #tpu.memory_space<vmem>>, vector<1x16xf32>,
        %get3A_115 = arith.index_cast %scan3A_102 : i32 to index
        %get3A_116 = arith.constant 16 : index
        %get3A_117 = tpu.vector_load %arg9[%get3A_115, %get3A_116] {strides = array<i32>} : memref<40x128xf32, #tpu.memory_space<vmem>>, vector<1x16xf32>,
        %get3A_118 = vector.shape_cast %get3A_117 : vector<1x16xf32> to vector<16xf32>
        %get3A_119 = arith.index_cast %scan3A_102 : i32 to index
        %get3A_120 = arith.constant 16 : index
        %get3A_121 = tpu.vector_load %arg11[%get3A_119, %get3A_120] {strides = array<i32>} : memref<40x128xf32, #tpu.memory_space<vmem>>, vector<1x16xf32>,
        %get3A_122 = vector.shape_cast %get3A_121 : vector<1x16xf32> to vector<16xf32>
        %add3A_123 = arith.addf %get3A_118, %get3A_122 : vector<16xf32>
        %swap3A_124 = arith.index_cast %scan3A_102 : i32 to index
        %swap3A_125 = arith.constant 16 : index
        %swap3A_126 = tpu.vector_load %arg13[%swap3A_124, %swap3A_125] {strides = array<i32>} : memref<40x128xf32, #tpu.memory_space<vmem>>, vector<1x16xf32>,
        %swap3A_127 = vector.shape_cast %swap3A_126 : vector<1x16xf32> to vector<16xf32>
        %swap3A_128 = vector.shape_cast %add3A_123 : vector<16xf32> to vector<1x16xf32>
        tpu.vector_store %arg13[%swap3A_124, %swap3A_125], %swap3A_128 {strides = array<i32>} : memref<40x128xf32, #tpu.memory_space<vmem>>, vector<1x16xf32>,
        %get3A_129 = arith.index_cast %scan3A_102 : i32 to index
        %get3A_130 = arith.constant 32 : index
        %get3A_131 = tpu.vector_load %arg9[%get3A_129, %get3A_130] {strides = array<i32>} : memref<40x128xf32, #tpu.memory_space<vmem>>, vector<1x16xf32>,
        %get3A_132 = vector.shape_cast %get3A_131 : vector<1x16xf32> to vector<16xf32>
        %get3A_133 = arith.index_cast %scan3A_102 : i32 to index
        %get3A_134 = arith.constant 32 : index
        %get3A_135 = tpu.vector_load %arg11[%get3A_133, %get3A_134] {strides = array<i32>} : memref<40x128xf32, #tpu.memory_space<vmem>>, vector<1x16xf32>,
        %get3A_136 = vector.shape_cast %get3A_135 : vector<1x16xf32> to vector<16xf32>
        %add3A_137 = arith.addf %get3A_132, %get3A_136 : vector<16xf32>
        %swap3A_138 = arith.index_cast %scan3A_102 : i32 to index
        %swap3A_139 = arith.constant 32 : index
        %swap3A_140 = tpu.vector_load %arg13[%swap3A_138, %swap3A_139] {strides = array<i32>} : memref<40x128xf32, #tpu.memory_space<vmem>>, vector<1x16xf32>,
        %swap3A_141 = vector.shape_cast %swap3A_140 : vector<1x16xf32> to vector<16xf32>
        %swap3A_142 = vector.shape_cast %add3A_137 : vector<16xf32> to vector<1x16xf32>
        tpu.vector_store %arg13[%swap3A_138, %swap3A_139], %swap3A_142 {strides = array<i32>} : memref<40x128xf32, #tpu.memory_space<vmem>>, vector<1x16xf32>,
        %get3A_143 = arith.index_cast %scan3A_102 : i32 to index
        %get3A_144 = arith.constant 48 : index
        %get3A_145 = tpu.vector_load %arg9[%get3A_143, %get3A_144] {strides = array<i32>} : memref<40x128xf32, #tpu.memory_space<vmem>>, vector<1x16xf32>,
        %get3A_146 = vector.shape_cast %get3A_145 : vector<1x16xf32> to vector<16xf32>
        %get3A_147 = arith.index_cast %scan3A_102 : i32 to index
        %get3A_148 = arith.constant 48 : index
        %get3A_149 = tpu.vector_load %arg11[%get3A_147, %get3A_148] {strides = array<i32>} : memref<40x128xf32, #tpu.memory_space<vmem>>, vector<1x16xf32>,
        %get3A_150 = vector.shape_cast %get3A_149 : vector<1x16xf32> to vector<16xf32>
        %add3A_151 = arith.addf %get3A_146, %get3A_150 : vector<16xf32>
        %swap3A_152 = arith.index_cast %scan3A_102 : i32 to index
        %swap3A_153 = arith.constant 48 : index
        %swap3A_154 = tpu.vector_load %arg13[%swap3A_152, %swap3A_153] {strides = array<i32>} : memref<40x128xf32, #tpu.memory_space<vmem>>, vector<1x16xf32>,
        %swap3A_155 = vector.shape_cast %swap3A_154 : vector<1x16xf32> to vector<16xf32>
        %swap3A_156 = vector.shape_cast %add3A_151 : vector<16xf32> to vector<1x16xf32>
        tpu.vector_store %arg13[%swap3A_152, %swap3A_153], %swap3A_156 {strides = array<i32>} : memref<40x128xf32, #tpu.memory_space<vmem>>, vector<1x16xf32>,
        %get3A_157 = arith.index_cast %scan3A_102 : i32 to index
        %get3A_158 = arith.constant 64 : index
        %get3A_159 = tpu.vector_load %arg9[%get3A_157, %get3A_158] {strides = array<i32>} : memref<40x128xf32, #tpu.memory_space<vmem>>, vector<1x16xf32>,
        %get3A_160 = vector.shape_cast %get3A_159 : vector<1x16xf32> to vector<16xf32>
        %get3A_161 = arith.index_cast %scan3A_102 : i32 to index
        %get3A_162 = arith.constant 64 : index
        %get3A_163 = tpu.vector_load %arg11[%get3A_161, %get3A_162] {strides = array<i32>} : memref<40x128xf32, #tpu.memory_space<vmem>>, vector<1x16xf32>,
        %get3A_164 = vector.shape_cast %get3A_163 : vector<1x16xf32> to vector<16xf32>
        %add3A_165 = arith.addf %get3A_160, %get3A_164 : vector<16xf32>
        %swap3A_166 = arith.index_cast %scan3A_102 : i32 to index
        %swap3A_167 = arith.constant 64 : index
        %swap3A_168 = tpu.vector_load %arg13[%swap3A_166, %swap3A_167] {strides = array<i32>} : memref<40x128xf32, #tpu.memory_space<vmem>>, vector<1x16xf32>,
        %swap3A_169 = vector.shape_cast %swap3A_168 : vector<1x16xf32> to vector<16xf32>
        %swap3A_170 = vector.shape_cast %add3A_165 : vector<16xf32> to vector<1x16xf32>
        tpu.vector_store %arg13[%swap3A_166, %swap3A_167], %swap3A_170 {strides = array<i32>} : memref<40x128xf32, #tpu.memory_space<vmem>>, vector<1x16xf32>,
        %get3A_171 = arith.index_cast %scan3A_102 : i32 to index
        %get3A_172 = arith.constant 80 : index
        %get3A_173 = tpu.vector_load %arg9[%get3A_171, %get3A_172] {strides = array<i32>} : memref<40x128xf32, #tpu.memory_space<vmem>>, vector<1x16xf32>,
        %get3A_174 = vector.shape_cast %get3A_173 : vector<1x16xf32> to vector<16xf32>
        %get3A_175 = arith.index_cast %scan3A_102 : i32 to index
        %get3A_176 = arith.constant 80 : index
        %get3A_177 = tpu.vector_load %arg11[%get3A_175, %get3A_176] {strides = array<i32>} : memref<40x128xf32, #tpu.memory_space<vmem>>, vector<1x16xf32>,
        %get3A_178 = vector.shape_cast %get3A_177 : vector<1x16xf32> to vector<16xf32>
        %add3A_179 = arith.addf %get3A_174, %get3A_178 : vector<16xf32>
        %swap3A_180 = arith.index_cast %scan3A_102 : i32 to index
        %swap3A_181 = arith.constant 80 : index
        %swap3A_182 = tpu.vector_load %arg13[%swap3A_180, %swap3A_181] {strides = array<i32>} : memref<40x128xf32, #tpu.memory_space<vmem>>, vector<1x16xf32>,
        %swap3A_183 = vector.shape_cast %swap3A_182 : vector<1x16xf32> to vector<16xf32>
        %swap3A_184 = vector.shape_cast %add3A_179 : vector<16xf32> to vector<1x16xf32>
        tpu.vector_store %arg13[%swap3A_180, %swap3A_181], %swap3A_184 {strides = array<i32>} : memref<40x128xf32, #tpu.memory_space<vmem>>, vector<1x16xf32>,
        %get3A_185 = arith.index_cast %scan3A_102 : i32 to index
        %get3A_186 = arith.constant 96 : index
        %get3A_187 = tpu.vector_load %arg9[%get3A_185, %get3A_186] {strides = array<i32>} : memref<40x128xf32, #tpu.memory_space<vmem>>, vector<1x16xf32>,
        %get3A_188 = vector.shape_cast %get3A_187 : vector<1x16xf32> to vector<16xf32>
        %get3A_189 = arith.index_cast %scan3A_102 : i32 to index
        %get3A_190 = arith.constant 96 : index
        %get3A_191 = tpu.vector_load %arg11[%get3A_189, %get3A_190] {strides = array<i32>} : memref<40x128xf32, #tpu.memory_space<vmem>>, vector<1x16xf32>,
        %get3A_192 = vector.shape_cast %get3A_191 : vector<1x16xf32> to vector<16xf32>
        %add3A_193 = arith.addf %get3A_188, %get3A_192 : vector<16xf32>
        %swap3A_194 = arith.index_cast %scan3A_102 : i32 to index
        %swap3A_195 = arith.constant 96 : index
        %swap3A_196 = tpu.vector_load %arg13[%swap3A_194, %swap3A_195] {strides = array<i32>} : memref<40x128xf32, #tpu.memory_space<vmem>>, vector<1x16xf32>,
        %swap3A_197 = vector.shape_cast %swap3A_196 : vector<1x16xf32> to vector<16xf32>
        %swap3A_198 = vector.shape_cast %add3A_193 : vector<16xf32> to vector<1x16xf32>
        tpu.vector_store %arg13[%swap3A_194, %swap3A_195], %swap3A_198 {strides = array<i32>} : memref<40x128xf32, #tpu.memory_space<vmem>>, vector<1x16xf32>,
        %get3A_199 = arith.index_cast %scan3A_102 : i32 to index
        %get3A_200 = arith.constant 112 : index
        %get3A_201 = tpu.vector_load %arg9[%get3A_199, %get3A_200] {strides = array<i32>} : memref<40x128xf32, #tpu.memory_space<vmem>>, vector<1x16xf32>,
        %get3A_202 = vector.shape_cast %get3A_201 : vector<1x16xf32> to vector<16xf32>
        %get3A_203 = arith.index_cast %scan3A_102 : i32 to index
        %get3A_204 = arith.constant 112 : index
        %get3A_205 = tpu.vector_load %arg11[%get3A_203, %get3A_204] {strides = array<i32>} : memref<40x128xf32, #tpu.memory_space<vmem>>, vector<1x16xf32>,
        %get3A_206 = vector.shape_cast %get3A_205 : vector<1x16xf32> to vector<16xf32>
        %add3A_207 = arith.addf %get3A_202, %get3A_206 : vector<16xf32>
        %swap3A_208 = arith.index_cast %scan3A_102 : i32 to index
        %swap3A_209 = arith.constant 112 : index
        %swap3A_210 = tpu.vector_load %arg13[%swap3A_208, %swap3A_209] {strides = array<i32>} : memref<40x128xf32, #tpu.memory_space<vmem>>, vector<1x16xf32>,
        %swap3A_211 = vector.shape_cast %swap3A_210 : vector<1x16xf32> to vector<16xf32>
        %swap3A_212 = vector.shape_cast %add3A_207 : vector<16xf32> to vector<1x16xf32>
        tpu.vector_store %arg13[%swap3A_208, %swap3A_209], %swap3A_212 {strides = array<i32>} : memref<40x128xf32, #tpu.memory_space<vmem>>, vector<1x16xf32>,
      }
      %scan3A_60 = arith.constant 40 : i32
      %mul3A_61 = arith.constant 40 : i32
      %mul3A_62 = arith.muli %mul3A_30, %mul3A_61 : i32
      %add3A_63 = arith.addi %mul3A_2, %mul3A_62 : i32
      %dma_start3A_64 = arith.constant 0 : i32
      %dma_start3A_65 = tpu.memref_slice %arg6[%add3A_63, %dma_start3A_64] : memref<320000x128xf32, #tpu.memory_space<hbm>> -> memref<40x128xf32, #tpu.memory_space<hbm>>
      %dma_start3A_66 = arith.constant 0 : i32
      %dma_start3A_67 = tpu.memref_slice %arg6[%add3A_63, %dma_start3A_66] : memref<320000x128xf32, #tpu.memory_space<hbm>> -> memref<40x128xf32, #tpu.memory_space<hbm>>
      tpu.enqueue_dma source(%arg13 : memref<40x128xf32, #tpu.memory_space<vmem>>) target(%dma_start3A_67 : memref<40x128xf32, #tpu.memory_space<hbm>>) target_semaphore(%arg19 : memref<!tpu.dma_semaphore, #tpu.memory_space<semaphore_mem>>)
      %lt3A = arith.constant 124 : i32
      %lt3A_68 = arith.cmpi slt, %scan3A_28, %lt3A : i32
      %convert_element_type3A_69 = arith.extui %lt3A_68 : i1 to i32
      %cond3A_70 = arith.constant 0 : i32
      %cond3A_71 = arith.cmpi ne, %convert_element_type3A_69, %cond3A_70 : i32
      scf.if %cond3A_71 {
        %add3A_102 = arith.constant 2 : i32
        %add3A_103 = arith.addi %mul3A_30, %add3A_102 : i32
        %mul3A_104 = arith.constant 40 : i32
        %mul3A_105 = arith.muli %add3A_103, %mul3A_104 : i32
        %dma_start3A_106 = tpu.memref_slice %arg7[%mul3A_105] : memref<10000xi32, #tpu.memory_space<vmem>> -> memref<40xi32, #tpu.memory_space<vmem>>
        %dma_start3A_107 = arith.constant 0 : i32
        %dma_start3A_108 = arith.constant 0 : i32
        %dma_start3A_109 = tpu.memref_slice %arg2[%dma_start3A_107, %dma_start3A_108] : memref<10000x128xf32, #tpu.memory_space<hbm>> -> memref<10000x128xf32, #tpu.memory_space<hbm>>
        tpu.enqueue_indirect_dma source(%dma_start3A_109 : memref<10000x128xf32, #tpu.memory_space<hbm>>) target(%arg9 : memref<40x128xf32, #tpu.memory_space<vmem>>) offsets(%dma_start3A_106 : memref<40xi32, #tpu.memory_space<vmem>>) semaphore(%arg15 : memref<!tpu.dma_semaphore, #tpu.memory_space<semaphore_mem>>)
        %dma_start3A_110 = tpu.memref_slice %arg8[%mul3A_105] : memref<10000xi32, #tpu.memory_space<vmem>> -> memref<40xi32, #tpu.memory_space<vmem>>
        %dma_start3A_111 = arith.constant 0 : i32
        %dma_start3A_112 = arith.constant 0 : i32
        %dma_start3A_113 = tpu.memref_slice %arg3[%dma_start3A_111, %dma_start3A_112] : memref<10000x128xf32, #tpu.memory_space<hbm>> -> memref<10000x128xf32, #tpu.memory_space<hbm>>
        tpu.enqueue_indirect_dma source(%dma_start3A_113 : memref<10000x128xf32, #tpu.memory_space<hbm>>) target(%arg11 : memref<40x128xf32, #tpu.memory_space<vmem>>) offsets(%dma_start3A_110 : memref<40xi32, #tpu.memory_space<vmem>>) semaphore(%arg17 : memref<!tpu.dma_semaphore, #tpu.memory_space<semaphore_mem>>)
      } else {
      }
      %dma_wait3A_72 = arith.constant 0 : i32
      %dma_wait3A_73 = tpu.memref_slice %arg7[%dma_wait3A_72] : memref<10000xi32, #tpu.memory_space<vmem>> -> memref<40xi32, #tpu.memory_space<vmem>>
      %dma_wait3A_74 = arith.constant 0 : i32
      %dma_wait3A_75 = arith.constant 0 : i32
      %dma_wait3A_76 = tpu.memref_slice %arg2[%dma_wait3A_74, %dma_wait3A_75] : memref<10000x128xf32, #tpu.memory_space<hbm>> -> memref<10000x128xf32, #tpu.memory_space<hbm>>
      tpu.wait_indirect_dma semaphore(%arg16 : memref<!tpu.dma_semaphore, #tpu.memory_space<semaphore_mem>>) src(%dma_wait3A_76 : memref<10000x128xf32, #tpu.memory_space<hbm>>) dst(%arg10 : memref<40x128xf32, #tpu.memory_space<vmem>>)
      %dma_wait3A_77 = arith.constant 0 : i32
      %dma_wait3A_78 = tpu.memref_slice %arg8[%dma_wait3A_77] : memref<10000xi32, #tpu.memory_space<vmem>> -> memref<40xi32, #tpu.memory_space<vmem>>
      %dma_wait3A_79 = arith.constant 0 : i32
      %dma_wait3A_80 = arith.constant 0 : i32
      %dma_wait3A_81 = tpu.memref_slice %arg3[%dma_wait3A_79, %dma_wait3A_80] : memref<10000x128xf32, #tpu.memory_space<hbm>> -> memref<10000x128xf32, #tpu.memory_space<hbm>>
      tpu.wait_indirect_dma semaphore(%arg18 : memref<!tpu.dma_semaphore, #tpu.memory_space<semaphore_mem>>) src(%dma_wait3A_81 : memref<10000x128xf32, #tpu.memory_space<hbm>>) dst(%arg12 : memref<40x128xf32, #tpu.memory_space<vmem>>)
      %gt3A_82 = arith.constant 0 : i32
      %gt3A_83 = arith.cmpi sgt, %scan3A_28, %gt3A_82 : i32
      %convert_element_type3A_84 = arith.extui %gt3A_83 : i1 to i32
      %cond3A_85 = arith.constant 0 : i32
      %cond3A_86 = arith.cmpi ne, %convert_element_type3A_84, %cond3A_85 : i32
      scf.if %cond3A_86 {
        %dma_wait3A_102 = arith.constant 0 : i32
        %dma_wait3A_103 = arith.constant 0 : i32
        %dma_wait3A_104 = tpu.memref_slice %arg6[%dma_wait3A_102, %dma_wait3A_103] : memref<320000x128xf32, #tpu.memory_space<hbm>> -> memref<40x128xf32, #tpu.memory_space<hbm>>
        %dma_wait3A_105 = arith.constant 0 : i32
        %dma_wait3A_106 = arith.constant 0 : i32
        %dma_wait3A_107 = tpu.memref_slice %arg6[%dma_wait3A_105, %dma_wait3A_106] : memref<320000x128xf32, #tpu.memory_space<hbm>> -> memref<40x128xf32, #tpu.memory_space<hbm>>
        tpu.wait_dma2 semaphore(%arg20 : memref<!tpu.dma_semaphore, #tpu.memory_space<semaphore_mem>>) src(%arg14 : memref<40x128xf32, #tpu.memory_space<vmem>>) dst(%dma_wait3A_107 : memref<40x128xf32, #tpu.memory_space<hbm>>)
      } else {
      }
      %scan3A_87 = arith.constant 0 : i32
      %scan3A_88 = arith.constant 0 : i32
      %scan3A_89 = arith.constant 40 : i32
      %scan3A_90 = arith.addi %scan3A_88, %scan3A_89 : i32
      %scan3A_91 = arith.constant 1 : i32
      scf.for %scan3A_102 = %scan3A_88 to %scan3A_90 step %scan3A_91  : i32 {
        %get3A = arith.index_cast %scan3A_102 : i32 to index
        %get3A_103 = arith.constant 0 : index
        %get3A_104 = tpu.vector_load %arg10[%get3A, %get3A_103] {strides = array<i32>} : memref<40x128xf32, #tpu.memory_space<vmem>>, vector<1x16xf32>,
        %get3A_105 = vector.shape_cast %get3A_104 : vector<1x16xf32> to vector<16xf32>
        %get3A_106 = arith.index_cast %scan3A_102 : i32 to index
        %get3A_107 = arith.constant 0 : index
        %get3A_108 = tpu.vector_load %arg12[%get3A_106, %get3A_107] {strides = array<i32>} : memref<40x128xf32, #tpu.memory_space<vmem>>, vector<1x16xf32>,
        %get3A_109 = vector.shape_cast %get3A_108 : vector<1x16xf32> to vector<16xf32>
        %add3A_110 = arith.addf %get3A_105, %get3A_109 : vector<16xf32>
        %swap3A = arith.index_cast %scan3A_102 : i32 to index
        %swap3A_111 = arith.constant 0 : index
        %swap3A_112 = tpu.vector_load %arg14[%swap3A, %swap3A_111] {strides = array<i32>} : memref<40x128xf32, #tpu.memory_space<vmem>>, vector<1x16xf32>,
        %swap3A_113 = vector.shape_cast %swap3A_112 : vector<1x16xf32> to vector<16xf32>
        %swap3A_114 = vector.shape_cast %add3A_110 : vector<16xf32> to vector<1x16xf32>
        tpu.vector_store %arg14[%swap3A, %swap3A_111], %swap3A_114 {strides = array<i32>} : memref<40x128xf32, #tpu.memory_space<vmem>>, vector<1x16xf32>,
        %get3A_115 = arith.index_cast %scan3A_102 : i32 to index
        %get3A_116 = arith.constant 16 : index
        %get3A_117 = tpu.vector_load %arg10[%get3A_115, %get3A_116] {strides = array<i32>} : memref<40x128xf32, #tpu.memory_space<vmem>>, vector<1x16xf32>,
        %get3A_118 = vector.shape_cast %get3A_117 : vector<1x16xf32> to vector<16xf32>
        %get3A_119 = arith.index_cast %scan3A_102 : i32 to index
        %get3A_120 = arith.constant 16 : index
        %get3A_121 = tpu.vector_load %arg12[%get3A_119, %get3A_120] {strides = array<i32>} : memref<40x128xf32, #tpu.memory_space<vmem>>, vector<1x16xf32>,
        %get3A_122 = vector.shape_cast %get3A_121 : vector<1x16xf32> to vector<16xf32>
        %add3A_123 = arith.addf %get3A_118, %get3A_122 : vector<16xf32>
        %swap3A_124 = arith.index_cast %scan3A_102 : i32 to index
        %swap3A_125 = arith.constant 16 : index
        %swap3A_126 = tpu.vector_load %arg14[%swap3A_124, %swap3A_125] {strides = array<i32>} : memref<40x128xf32, #tpu.memory_space<vmem>>, vector<1x16xf32>,
        %swap3A_127 = vector.shape_cast %swap3A_126 : vector<1x16xf32> to vector<16xf32>
        %swap3A_128 = vector.shape_cast %add3A_123 : vector<16xf32> to vector<1x16xf32>
        tpu.vector_store %arg14[%swap3A_124, %swap3A_125], %swap3A_128 {strides = array<i32>} : memref<40x128xf32, #tpu.memory_space<vmem>>, vector<1x16xf32>,
        %get3A_129 = arith.index_cast %scan3A_102 : i32 to index
        %get3A_130 = arith.constant 32 : index
        %get3A_131 = tpu.vector_load %arg10[%get3A_129, %get3A_130] {strides = array<i32>} : memref<40x128xf32, #tpu.memory_space<vmem>>, vector<1x16xf32>,
        %get3A_132 = vector.shape_cast %get3A_131 : vector<1x16xf32> to vector<16xf32>
        %get3A_133 = arith.index_cast %scan3A_102 : i32 to index
        %get3A_134 = arith.constant 32 : index
        %get3A_135 = tpu.vector_load %arg12[%get3A_133, %get3A_134] {strides = array<i32>} : memref<40x128xf32, #tpu.memory_space<vmem>>, vector<1x16xf32>,
        %get3A_136 = vector.shape_cast %get3A_135 : vector<1x16xf32> to vector<16xf32>
        %add3A_137 = arith.addf %get3A_132, %get3A_136 : vector<16xf32>
        %swap3A_138 = arith.index_cast %scan3A_102 : i32 to index
        %swap3A_139 = arith.constant 32 : index
        %swap3A_140 = tpu.vector_load %arg14[%swap3A_138, %swap3A_139] {strides = array<i32>} : memref<40x128xf32, #tpu.memory_space<vmem>>, vector<1x16xf32>,
        %swap3A_141 = vector.shape_cast %swap3A_140 : vector<1x16xf32> to vector<16xf32>
        %swap3A_142 = vector.shape_cast %add3A_137 : vector<16xf32> to vector<1x16xf32>
        tpu.vector_store %arg14[%swap3A_138, %swap3A_139], %swap3A_142 {strides = array<i32>} : memref<40x128xf32, #tpu.memory_space<vmem>>, vector<1x16xf32>,
        %get3A_143 = arith.index_cast %scan3A_102 : i32 to index
        %get3A_144 = arith.constant 48 : index
        %get3A_145 = tpu.vector_load %arg10[%get3A_143, %get3A_144] {strides = array<i32>} : memref<40x128xf32, #tpu.memory_space<vmem>>, vector<1x16xf32>,
        %get3A_146 = vector.shape_cast %get3A_145 : vector<1x16xf32> to vector<16xf32>
        %get3A_147 = arith.index_cast %scan3A_102 : i32 to index
        %get3A_148 = arith.constant 48 : index
        %get3A_149 = tpu.vector_load %arg12[%get3A_147, %get3A_148] {strides = array<i32>} : memref<40x128xf32, #tpu.memory_space<vmem>>, vector<1x16xf32>,
        %get3A_150 = vector.shape_cast %get3A_149 : vector<1x16xf32> to vector<16xf32>
        %add3A_151 = arith.addf %get3A_146, %get3A_150 : vector<16xf32>
        %swap3A_152 = arith.index_cast %scan3A_102 : i32 to index
        %swap3A_153 = arith.constant 48 : index
        %swap3A_154 = tpu.vector_load %arg14[%swap3A_152, %swap3A_153] {strides = array<i32>} : memref<40x128xf32, #tpu.memory_space<vmem>>, vector<1x16xf32>,
        %swap3A_155 = vector.shape_cast %swap3A_154 : vector<1x16xf32> to vector<16xf32>
        %swap3A_156 = vector.shape_cast %add3A_151 : vector<16xf32> to vector<1x16xf32>
        tpu.vector_store %arg14[%swap3A_152, %swap3A_153], %swap3A_156 {strides = array<i32>} : memref<40x128xf32, #tpu.memory_space<vmem>>, vector<1x16xf32>,
        %get3A_157 = arith.index_cast %scan3A_102 : i32 to index
        %get3A_158 = arith.constant 64 : index
        %get3A_159 = tpu.vector_load %arg10[%get3A_157, %get3A_158] {strides = array<i32>} : memref<40x128xf32, #tpu.memory_space<vmem>>, vector<1x16xf32>,
        %get3A_160 = vector.shape_cast %get3A_159 : vector<1x16xf32> to vector<16xf32>
        %get3A_161 = arith.index_cast %scan3A_102 : i32 to index
        %get3A_162 = arith.constant 64 : index
        %get3A_163 = tpu.vector_load %arg12[%get3A_161, %get3A_162] {strides = array<i32>} : memref<40x128xf32, #tpu.memory_space<vmem>>, vector<1x16xf32>,
        %get3A_164 = vector.shape_cast %get3A_163 : vector<1x16xf32> to vector<16xf32>
        %add3A_165 = arith.addf %get3A_160, %get3A_164 : vector<16xf32>
        %swap3A_166 = arith.index_cast %scan3A_102 : i32 to index
        %swap3A_167 = arith.constant 64 : index
        %swap3A_168 = tpu.vector_load %arg14[%swap3A_166, %swap3A_167] {strides = array<i32>} : memref<40x128xf32, #tpu.memory_space<vmem>>, vector<1x16xf32>,
        %swap3A_169 = vector.shape_cast %swap3A_168 : vector<1x16xf32> to vector<16xf32>
        %swap3A_170 = vector.shape_cast %add3A_165 : vector<16xf32> to vector<1x16xf32>
        tpu.vector_store %arg14[%swap3A_166, %swap3A_167], %swap3A_170 {strides = array<i32>} : memref<40x128xf32, #tpu.memory_space<vmem>>, vector<1x16xf32>,
        %get3A_171 = arith.index_cast %scan3A_102 : i32 to index
        %get3A_172 = arith.constant 80 : index
        %get3A_173 = tpu.vector_load %arg10[%get3A_171, %get3A_172] {strides = array<i32>} : memref<40x128xf32, #tpu.memory_space<vmem>>, vector<1x16xf32>,
        %get3A_174 = vector.shape_cast %get3A_173 : vector<1x16xf32> to vector<16xf32>
        %get3A_175 = arith.index_cast %scan3A_102 : i32 to index
        %get3A_176 = arith.constant 80 : index
        %get3A_177 = tpu.vector_load %arg12[%get3A_175, %get3A_176] {strides = array<i32>} : memref<40x128xf32, #tpu.memory_space<vmem>>, vector<1x16xf32>,
        %get3A_178 = vector.shape_cast %get3A_177 : vector<1x16xf32> to vector<16xf32>
        %add3A_179 = arith.addf %get3A_174, %get3A_178 : vector<16xf32>
        %swap3A_180 = arith.index_cast %scan3A_102 : i32 to index
        %swap3A_181 = arith.constant 80 : index
        %swap3A_182 = tpu.vector_load %arg14[%swap3A_180, %swap3A_181] {strides = array<i32>} : memref<40x128xf32, #tpu.memory_space<vmem>>, vector<1x16xf32>,
        %swap3A_183 = vector.shape_cast %swap3A_182 : vector<1x16xf32> to vector<16xf32>
        %swap3A_184 = vector.shape_cast %add3A_179 : vector<16xf32> to vector<1x16xf32>
        tpu.vector_store %arg14[%swap3A_180, %swap3A_181], %swap3A_184 {strides = array<i32>} : memref<40x128xf32, #tpu.memory_space<vmem>>, vector<1x16xf32>,
        %get3A_185 = arith.index_cast %scan3A_102 : i32 to index
        %get3A_186 = arith.constant 96 : index
        %get3A_187 = tpu.vector_load %arg10[%get3A_185, %get3A_186] {strides = array<i32>} : memref<40x128xf32, #tpu.memory_space<vmem>>, vector<1x16xf32>,
        %get3A_188 = vector.shape_cast %get3A_187 : vector<1x16xf32> to vector<16xf32>
        %get3A_189 = arith.index_cast %scan3A_102 : i32 to index
        %get3A_190 = arith.constant 96 : index
        %get3A_191 = tpu.vector_load %arg12[%get3A_189, %get3A_190] {strides = array<i32>} : memref<40x128xf32, #tpu.memory_space<vmem>>, vector<1x16xf32>,
        %get3A_192 = vector.shape_cast %get3A_191 : vector<1x16xf32> to vector<16xf32>
        %add3A_193 = arith.addf %get3A_188, %get3A_192 : vector<16xf32>
        %swap3A_194 = arith.index_cast %scan3A_102 : i32 to index
        %swap3A_195 = arith.constant 96 : index
        %swap3A_196 = tpu.vector_load %arg14[%swap3A_194, %swap3A_195] {strides = array<i32>} : memref<40x128xf32, #tpu.memory_space<vmem>>, vector<1x16xf32>,
        %swap3A_197 = vector.shape_cast %swap3A_196 : vector<1x16xf32> to vector<16xf32>
        %swap3A_198 = vector.shape_cast %add3A_193 : vector<16xf32> to vector<1x16xf32>
        tpu.vector_store %arg14[%swap3A_194, %swap3A_195], %swap3A_198 {strides = array<i32>} : memref<40x128xf32, #tpu.memory_space<vmem>>, vector<1x16xf32>,
        %get3A_199 = arith.index_cast %scan3A_102 : i32 to index
        %get3A_200 = arith.constant 112 : index
        %get3A_201 = tpu.vector_load %arg10[%get3A_199, %get3A_200] {strides = array<i32>} : memref<40x128xf32, #tpu.memory_space<vmem>>, vector<1x16xf32>,
        %get3A_202 = vector.shape_cast %get3A_201 : vector<1x16xf32> to vector<16xf32>
        %get3A_203 = arith.index_cast %scan3A_102 : i32 to index
        %get3A_204 = arith.constant 112 : index
        %get3A_205 = tpu.vector_load %arg12[%get3A_203, %get3A_204] {strides = array<i32>} : memref<40x128xf32, #tpu.memory_space<vmem>>, vector<1x16xf32>,
        %get3A_206 = vector.shape_cast %get3A_205 : vector<1x16xf32> to vector<16xf32>
        %add3A_207 = arith.addf %get3A_202, %get3A_206 : vector<16xf32>
        %swap3A_208 = arith.index_cast %scan3A_102 : i32 to index
        %swap3A_209 = arith.constant 112 : index
        %swap3A_210 = tpu.vector_load %arg14[%swap3A_208, %swap3A_209] {strides = array<i32>} : memref<40x128xf32, #tpu.memory_space<vmem>>, vector<1x16xf32>,
        %swap3A_211 = vector.shape_cast %swap3A_210 : vector<1x16xf32> to vector<16xf32>
        %swap3A_212 = vector.shape_cast %add3A_207 : vector<16xf32> to vector<1x16xf32>
        tpu.vector_store %arg14[%swap3A_208, %swap3A_209], %swap3A_212 {strides = array<i32>} : memref<40x128xf32, #tpu.memory_space<vmem>>, vector<1x16xf32>,
      }
      %scan3A_92 = arith.constant 40 : i32
      %add3A_93 = arith.constant 1 : i32
      %add3A_94 = arith.addi %mul3A_30, %add3A_93 : i32
      %mul3A_95 = arith.constant 40 : i32
      %mul3A_96 = arith.muli %add3A_94, %mul3A_95 : i32
      %add3A_97 = arith.addi %mul3A_2, %mul3A_96 : i32
      %dma_start3A_98 = arith.constant 0 : i32
      %dma_start3A_99 = tpu.memref_slice %arg6[%add3A_97, %dma_start3A_98] : memref<320000x128xf32, #tpu.memory_space<hbm>> -> memref<40x128xf32, #tpu.memory_space<hbm>>
      %dma_start3A_100 = arith.constant 0 : i32
      %dma_start3A_101 = tpu.memref_slice %arg6[%add3A_97, %dma_start3A_100] : memref<320000x128xf32, #tpu.memory_space<hbm>> -> memref<40x128xf32, #tpu.memory_space<hbm>>
      tpu.enqueue_dma source(%arg14 : memref<40x128xf32, #tpu.memory_space<vmem>>) target(%dma_start3A_101 : memref<40x128xf32, #tpu.memory_space<hbm>>) target_semaphore(%arg20 : memref<!tpu.dma_semaphore, #tpu.memory_space<semaphore_mem>>)
    }
    %scan3A_16 = arith.constant 125 : i32
    %dma_wait3A = arith.constant 0 : i32
    %dma_wait3A_17 = arith.constant 0 : i32
    %dma_wait3A_18 = tpu.memref_slice %arg6[%dma_wait3A, %dma_wait3A_17] : memref<320000x128xf32, #tpu.memory_space<hbm>> -> memref<40x128xf32, #tpu.memory_space<hbm>>
    %dma_wait3A_19 = arith.constant 0 : i32
    %dma_wait3A_20 = arith.constant 0 : i32
    %dma_wait3A_21 = tpu.memref_slice %arg6[%dma_wait3A_19, %dma_wait3A_20] : memref<320000x128xf32, #tpu.memory_space<hbm>> -> memref<40x128xf32, #tpu.memory_space<hbm>>
    tpu.wait_dma2 semaphore(%arg19 : memref<!tpu.dma_semaphore, #tpu.memory_space<semaphore_mem>>) src(%arg13 : memref<40x128xf32, #tpu.memory_space<vmem>>) dst(%dma_wait3A_21 : memref<40x128xf32, #tpu.memory_space<hbm>>)
    %dma_wait3A_22 = arith.constant 0 : i32
    %dma_wait3A_23 = arith.constant 0 : i32
    %dma_wait3A_24 = tpu.memref_slice %arg6[%dma_wait3A_22, %dma_wait3A_23] : memref<320000x128xf32, #tpu.memory_space<hbm>> -> memref<40x128xf32, #tpu.memory_space<hbm>>
    %dma_wait3A_25 = arith.constant 0 : i32
    %dma_wait3A_26 = arith.constant 0 : i32
    %dma_wait3A_27 = tpu.memref_slice %arg6[%dma_wait3A_25, %dma_wait3A_26] : memref<320000x128xf32, #tpu.memory_space<hbm>> -> memref<40x128xf32, #tpu.memory_space<hbm>>
    tpu.wait_dma2 semaphore(%arg20 : memref<!tpu.dma_semaphore, #tpu.memory_space<semaphore_mem>>) src(%arg14 : memref<40x128xf32, #tpu.memory_space<vmem>>) dst(%dma_wait3A_27 : memref<40x128xf32, #tpu.memory_space<hbm>>)
    return
  }
}

#map = affine_map<(d0, d1) -> (0, 0)>
#map1 = affine_map<(d0, d1) -> (0)>
#map2 = affine_map<(d0, d1) -> (0, 0, 0)>
module attributes {stable_mosaic.version = 14 : i64} {
  func.func @scatter(%arg0: i32, %arg1: i32, %arg2: memref<320000x128xf32, #tpu.memory_space<hbm>>, %arg3: memref<640000xi32, #tpu.memory_space<hbm>>, %arg4: memref<10000x128xf32, #tpu.memory_space<hbm>>, %arg5: memref<2x10000x128xf32, #tpu.memory_space<hbm>>, %arg6: memref<80xi32, #tpu.memory_space<vmem>>, %arg7: memref<80xi32, #tpu.memory_space<vmem>>, %arg8: memref<80x128xf32, #tpu.memory_space<vmem>>, %arg9: memref<80x128xf32, #tpu.memory_space<vmem>>, %arg10: memref<10000x128xf32, #tpu.memory_space<vmem_shared>>, %arg11: memref<!tpu.dma_semaphore, #tpu.memory_space<semaphore_mem>>, %arg12: memref<!tpu.dma_semaphore, #tpu.memory_space<semaphore_mem>>, %arg13: memref<!tpu.dma_semaphore, #tpu.memory_space<semaphore_mem>>, %arg14: memref<!tpu.dma_semaphore, #tpu.memory_space<semaphore_mem>>) attributes {dimension_semantics = [#tpu.dimension_semantics<core_parallel>, #tpu.dimension_semantics<subcore_parallel>], iteration_bounds = array<i64: 2, 16>, scalar_prefetch = 0 : i64, scratch_operands = 9 : i64, tpu.core_type = #tpu.core_type<sc_vector_subcore>, window_params = [{transform_indices = #map}, {transform_indices = #map1}, {transform_indices = #map}, {transform_indices = #map2}]} {
    %mul3A = arith.constant 640 : i32
    %mul3A_0 = arith.muli %arg1, %mul3A : i32
    %eq3A = arith.constant 15 : i32
    %eq3A_1 = arith.cmpi eq, %arg1, %eq3A : i32
    %select_n3A = arith.constant 8 : i32
    %select_n3A_2 = arith.constant 5 : i32
    %select_n3A_3 = arith.select %eq3A_1, %select_n3A_2, %select_n3A : i32
    %while3A = arith.constant 0 : i32
    %while3A_4 = arith.constant 0 : i32
    %while3A_5 = arith.subi %select_n3A_3, %while3A_4 : i32
    %while3A_6 = arith.addi %while3A_4, %while3A_5 : i32
    %while3A_7 = arith.constant 1 : i32
    %while3A_8 = arith.divsi %while3A_5, %while3A_7 : i32
    %while3A_9 = arith.muli %while3A_8, %while3A_7 : i32
    %while3A_10 = arith.addi %while3A_4, %while3A_9 : i32
    %while3A_11 = arith.constant 1 : i32
    scf.for %while3A_47 = %while3A_4 to %while3A_10 step %while3A_11  : i32 {
      %mul3A_48 = arith.constant 80 : i32
      %mul3A_49 = arith.muli %while3A_47, %mul3A_48 : i32
      %add3A_50 = arith.addi %mul3A_0, %mul3A_49 : i32
      "tpu.region"() ({
        %run_scoped3A = tpu.sem_alloc : memref<!tpu.dma_semaphore, #tpu.memory_space<semaphore_mem>>
        %dma_start3A_51 = arith.constant 0 : i32
        %dma_start3A_52 = tpu.memref_slice %arg4[%add3A_50, %dma_start3A_51] : memref<10000x128xf32, #tpu.memory_space<hbm>> -> memref<80x128xf32, #tpu.memory_space<hbm>>
        %dma_start3A_53 = arith.constant 0 : i32
        %dma_start3A_54 = tpu.memref_slice %arg4[%add3A_50, %dma_start3A_53] : memref<10000x128xf32, #tpu.memory_space<hbm>> -> memref<80x128xf32, #tpu.memory_space<hbm>>
        tpu.enqueue_dma source(%dma_start3A_54 : memref<80x128xf32, #tpu.memory_space<hbm>>) target(%arg8 : memref<80x128xf32, #tpu.memory_space<vmem>>) target_semaphore(%run_scoped3A : memref<!tpu.dma_semaphore, #tpu.memory_space<semaphore_mem>>)
        %dma_wait3A_55 = arith.constant 0 : i32
        %dma_wait3A_56 = tpu.memref_slice %arg4[%add3A_50, %dma_wait3A_55] : memref<10000x128xf32, #tpu.memory_space<hbm>> -> memref<80x128xf32, #tpu.memory_space<hbm>>
        %dma_wait3A_57 = arith.constant 0 : i32
        %dma_wait3A_58 = tpu.memref_slice %arg4[%add3A_50, %dma_wait3A_57] : memref<10000x128xf32, #tpu.memory_space<hbm>> -> memref<80x128xf32, #tpu.memory_space<hbm>>
        tpu.wait_dma2 semaphore(%run_scoped3A : memref<!tpu.dma_semaphore, #tpu.memory_space<semaphore_mem>>) src(%dma_wait3A_58 : memref<80x128xf32, #tpu.memory_space<hbm>>) dst(%arg8 : memref<80x128xf32, #tpu.memory_space<vmem>>)
        tpu.yield
      }) : () -> ()
      "tpu.region"() ({
        %run_scoped3A = tpu.sem_alloc : memref<!tpu.dma_semaphore, #tpu.memory_space<semaphore_mem>>
        %dma_start3A_51 = arith.constant 0 : i32
        %dma_start3A_52 = tpu.memref_slice %arg10[%add3A_50, %dma_start3A_51] : memref<10000x128xf32, #tpu.memory_space<vmem_shared>> -> memref<80x128xf32, #tpu.memory_space<vmem_shared>>
        %dma_start3A_53 = arith.constant 0 : i32
        %dma_start3A_54 = tpu.memref_slice %arg10[%add3A_50, %dma_start3A_53] : memref<10000x128xf32, #tpu.memory_space<vmem_shared>> -> memref<80x128xf32, #tpu.memory_space<vmem_shared>>
        tpu.enqueue_dma source(%arg8 : memref<80x128xf32, #tpu.memory_space<vmem>>) target(%dma_start3A_54 : memref<80x128xf32, #tpu.memory_space<vmem_shared>>) target_semaphore(%run_scoped3A : memref<!tpu.dma_semaphore, #tpu.memory_space<semaphore_mem>>)
        %dma_wait3A_55 = arith.constant 0 : i32
        %dma_wait3A_56 = tpu.memref_slice %arg10[%add3A_50, %dma_wait3A_55] : memref<10000x128xf32, #tpu.memory_space<vmem_shared>> -> memref<80x128xf32, #tpu.memory_space<vmem_shared>>
        %dma_wait3A_57 = arith.constant 0 : i32
        %dma_wait3A_58 = tpu.memref_slice %arg10[%add3A_50, %dma_wait3A_57] : memref<10000x128xf32, #tpu.memory_space<vmem_shared>> -> memref<80x128xf32, #tpu.memory_space<vmem_shared>>
        tpu.wait_dma2 semaphore(%run_scoped3A : memref<!tpu.dma_semaphore, #tpu.memory_space<semaphore_mem>>) src(%arg8 : memref<80x128xf32, #tpu.memory_space<vmem>>) dst(%dma_wait3A_58 : memref<80x128xf32, #tpu.memory_space<vmem_shared>>)
        tpu.yield
      }) : () -> ()
    }
    %while3A_12 = arith.constant 1 : i32
    scf.for %while3A_47 = %while3A_10 to %while3A_6 step %while3A_12  : i32 {
      %mul3A_48 = arith.constant 80 : i32
      %mul3A_49 = arith.muli %while3A_47, %mul3A_48 : i32
      %add3A_50 = arith.addi %mul3A_0, %mul3A_49 : i32
      "tpu.region"() ({
        %run_scoped3A = tpu.sem_alloc : memref<!tpu.dma_semaphore, #tpu.memory_space<semaphore_mem>>
        %dma_start3A_51 = arith.constant 0 : i32
        %dma_start3A_52 = tpu.memref_slice %arg4[%add3A_50, %dma_start3A_51] : memref<10000x128xf32, #tpu.memory_space<hbm>> -> memref<80x128xf32, #tpu.memory_space<hbm>>
        %dma_start3A_53 = arith.constant 0 : i32
        %dma_start3A_54 = tpu.memref_slice %arg4[%add3A_50, %dma_start3A_53] : memref<10000x128xf32, #tpu.memory_space<hbm>> -> memref<80x128xf32, #tpu.memory_space<hbm>>
        tpu.enqueue_dma source(%dma_start3A_54 : memref<80x128xf32, #tpu.memory_space<hbm>>) target(%arg8 : memref<80x128xf32, #tpu.memory_space<vmem>>) target_semaphore(%run_scoped3A : memref<!tpu.dma_semaphore, #tpu.memory_space<semaphore_mem>>)
        %dma_wait3A_55 = arith.constant 0 : i32
        %dma_wait3A_56 = tpu.memref_slice %arg4[%add3A_50, %dma_wait3A_55] : memref<10000x128xf32, #tpu.memory_space<hbm>> -> memref<80x128xf32, #tpu.memory_space<hbm>>
        %dma_wait3A_57 = arith.constant 0 : i32
        %dma_wait3A_58 = tpu.memref_slice %arg4[%add3A_50, %dma_wait3A_57] : memref<10000x128xf32, #tpu.memory_space<hbm>> -> memref<80x128xf32, #tpu.memory_space<hbm>>
        tpu.wait_dma2 semaphore(%run_scoped3A : memref<!tpu.dma_semaphore, #tpu.memory_space<semaphore_mem>>) src(%dma_wait3A_58 : memref<80x128xf32, #tpu.memory_space<hbm>>) dst(%arg8 : memref<80x128xf32, #tpu.memory_space<vmem>>)
        tpu.yield
      }) : () -> ()
      "tpu.region"() ({
        %run_scoped3A = tpu.sem_alloc : memref<!tpu.dma_semaphore, #tpu.memory_space<semaphore_mem>>
        %dma_start3A_51 = arith.constant 0 : i32
        %dma_start3A_52 = tpu.memref_slice %arg10[%add3A_50, %dma_start3A_51] : memref<10000x128xf32, #tpu.memory_space<vmem_shared>> -> memref<80x128xf32, #tpu.memory_space<vmem_shared>>
        %dma_start3A_53 = arith.constant 0 : i32
        %dma_start3A_54 = tpu.memref_slice %arg10[%add3A_50, %dma_start3A_53] : memref<10000x128xf32, #tpu.memory_space<vmem_shared>> -> memref<80x128xf32, #tpu.memory_space<vmem_shared>>
        tpu.enqueue_dma source(%arg8 : memref<80x128xf32, #tpu.memory_space<vmem>>) target(%dma_start3A_54 : memref<80x128xf32, #tpu.memory_space<vmem_shared>>) target_semaphore(%run_scoped3A : memref<!tpu.dma_semaphore, #tpu.memory_space<semaphore_mem>>)
        %dma_wait3A_55 = arith.constant 0 : i32
        %dma_wait3A_56 = tpu.memref_slice %arg10[%add3A_50, %dma_wait3A_55] : memref<10000x128xf32, #tpu.memory_space<vmem_shared>> -> memref<80x128xf32, #tpu.memory_space<vmem_shared>>
        %dma_wait3A_57 = arith.constant 0 : i32
        %dma_wait3A_58 = tpu.memref_slice %arg10[%add3A_50, %dma_wait3A_57] : memref<10000x128xf32, #tpu.memory_space<vmem_shared>> -> memref<80x128xf32, #tpu.memory_space<vmem_shared>>
        tpu.wait_dma2 semaphore(%run_scoped3A : memref<!tpu.dma_semaphore, #tpu.memory_space<semaphore_mem>>) src(%arg8 : memref<80x128xf32, #tpu.memory_space<vmem>>) dst(%dma_wait3A_58 : memref<80x128xf32, #tpu.memory_space<vmem_shared>>)
        tpu.yield
      }) : () -> ()
    }
    %barrier3A = arith.constant 0 : index
    tpu.barrier barrier_id(%barrier3A)
    %mul3A_13 = arith.constant 20000 : i32
    %mul3A_14 = arith.muli %arg1, %mul3A_13 : i32
    %mul3A_15 = arith.constant 320000 : i32
    %mul3A_16 = arith.muli %arg0, %mul3A_15 : i32
    %add3A = arith.addi %mul3A_16, %mul3A_14 : i32
    %add3A_17 = arith.constant 0 : i32
    %add3A_18 = arith.addi %add3A, %add3A_17 : i32
    %dma_start3A = tpu.memref_slice %arg3[%add3A_18] : memref<640000xi32, #tpu.memory_space<hbm>> -> memref<80xi32, #tpu.memory_space<hbm>>
    %dma_start3A_19 = tpu.memref_slice %arg3[%add3A_18] : memref<640000xi32, #tpu.memory_space<hbm>> -> memref<80xi32, #tpu.memory_space<hbm>>
    tpu.enqueue_dma source(%dma_start3A_19 : memref<80xi32, #tpu.memory_space<hbm>>) target(%arg6 : memref<80xi32, #tpu.memory_space<vmem>>) target_semaphore(%arg11 : memref<!tpu.dma_semaphore, #tpu.memory_space<semaphore_mem>>)
    %add3A_20 = arith.constant 0 : i32
    %add3A_21 = arith.addi %mul3A_14, %add3A_20 : i32
    %dma_start3A_22 = arith.constant 0 : i32
    %dma_start3A_23 = tpu.memref_slice %arg2[%add3A_21, %dma_start3A_22] : memref<320000x128xf32, #tpu.memory_space<hbm>> -> memref<80x128xf32, #tpu.memory_space<hbm>>
    %dma_start3A_24 = arith.constant 0 : i32
    %dma_start3A_25 = tpu.memref_slice %arg2[%add3A_21, %dma_start3A_24] : memref<320000x128xf32, #tpu.memory_space<hbm>> -> memref<80x128xf32, #tpu.memory_space<hbm>>
    tpu.enqueue_dma source(%dma_start3A_25 : memref<80x128xf32, #tpu.memory_space<hbm>>) target(%arg8 : memref<80x128xf32, #tpu.memory_space<vmem>>) target_semaphore(%arg11 : memref<!tpu.dma_semaphore, #tpu.memory_space<semaphore_mem>>)
    %scan3A = arith.constant 0 : i32
    %scan3A_26 = arith.constant 0 : i32
    %scan3A_27 = arith.constant 125 : i32
    %scan3A_28 = arith.addi %scan3A_26, %scan3A_27 : i32
    %scan3A_29 = arith.constant 1 : i32
    scf.for %scan3A_47 = %scan3A_26 to %scan3A_28 step %scan3A_29  : i32 {
      %mul3A_48 = arith.constant 2 : i32
      %mul3A_49 = arith.muli %mul3A_48, %scan3A_47 : i32
      %gt3A = arith.constant 0 : i32
      %gt3A_50 = arith.cmpi sgt, %scan3A_47, %gt3A : i32
      %convert_element_type3A = arith.extui %gt3A_50 : i1 to i32
      %cond3A = arith.constant 0 : i32
      %cond3A_51 = arith.cmpi ne, %convert_element_type3A, %cond3A : i32
      scf.if %cond3A_51 {
        %dma_wait3A_100 = arith.constant 0 : i32
        %dma_wait3A_101 = arith.constant 0 : i32
        %dma_wait3A_102 = tpu.memref_slice %arg2[%dma_wait3A_100, %dma_wait3A_101] : memref<320000x128xf32, #tpu.memory_space<hbm>> -> memref<80x128xf32, #tpu.memory_space<hbm>>
        %dma_wait3A_103 = arith.constant 0 : i32
        %dma_wait3A_104 = arith.constant 0 : i32
        %dma_wait3A_105 = tpu.memref_slice %arg2[%dma_wait3A_103, %dma_wait3A_104] : memref<320000x128xf32, #tpu.memory_space<hbm>> -> memref<80x128xf32, #tpu.memory_space<hbm>>
        tpu.wait_dma2 semaphore(%arg14 : memref<!tpu.dma_semaphore, #tpu.memory_space<semaphore_mem>>) src(%dma_wait3A_105 : memref<80x128xf32, #tpu.memory_space<hbm>>) dst(%arg9 : memref<80x128xf32, #tpu.memory_space<vmem>>)
      } else {
      }
      %add3A_52 = arith.constant 1 : i32
      %add3A_53 = arith.addi %mul3A_49, %add3A_52 : i32
      %mul3A_54 = arith.constant 80 : i32
      %mul3A_55 = arith.muli %add3A_53, %mul3A_54 : i32
      %add3A_56 = arith.addi %add3A, %mul3A_55 : i32
      %dma_start3A_57 = tpu.memref_slice %arg3[%add3A_56] : memref<640000xi32, #tpu.memory_space<hbm>> -> memref<80xi32, #tpu.memory_space<hbm>>
      %dma_start3A_58 = tpu.memref_slice %arg3[%add3A_56] : memref<640000xi32, #tpu.memory_space<hbm>> -> memref<80xi32, #tpu.memory_space<hbm>>
      tpu.enqueue_dma source(%dma_start3A_58 : memref<80xi32, #tpu.memory_space<hbm>>) target(%arg7 : memref<80xi32, #tpu.memory_space<vmem>>) target_semaphore(%arg12 : memref<!tpu.dma_semaphore, #tpu.memory_space<semaphore_mem>>)
      %add3A_59 = arith.addi %mul3A_14, %mul3A_55 : i32
      %dma_start3A_60 = arith.constant 0 : i32
      %dma_start3A_61 = tpu.memref_slice %arg2[%add3A_59, %dma_start3A_60] : memref<320000x128xf32, #tpu.memory_space<hbm>> -> memref<80x128xf32, #tpu.memory_space<hbm>>
      %dma_start3A_62 = arith.constant 0 : i32
      %dma_start3A_63 = tpu.memref_slice %arg2[%add3A_59, %dma_start3A_62] : memref<320000x128xf32, #tpu.memory_space<hbm>> -> memref<80x128xf32, #tpu.memory_space<hbm>>
      tpu.enqueue_dma source(%dma_start3A_63 : memref<80x128xf32, #tpu.memory_space<hbm>>) target(%arg9 : memref<80x128xf32, #tpu.memory_space<vmem>>) target_semaphore(%arg12 : memref<!tpu.dma_semaphore, #tpu.memory_space<semaphore_mem>>)
      %dma_wait3A_64 = arith.constant 0 : i32
      %dma_wait3A_65 = tpu.memref_slice %arg3[%dma_wait3A_64] : memref<640000xi32, #tpu.memory_space<hbm>> -> memref<80xi32, #tpu.memory_space<hbm>>
      %dma_wait3A_66 = arith.constant 0 : i32
      %dma_wait3A_67 = tpu.memref_slice %arg3[%dma_wait3A_66] : memref<640000xi32, #tpu.memory_space<hbm>> -> memref<80xi32, #tpu.memory_space<hbm>>
      tpu.wait_dma2 semaphore(%arg11 : memref<!tpu.dma_semaphore, #tpu.memory_space<semaphore_mem>>) src(%dma_wait3A_67 : memref<80xi32, #tpu.memory_space<hbm>>) dst(%arg6 : memref<80xi32, #tpu.memory_space<vmem>>)
      %dma_wait3A_68 = arith.constant 0 : i32
      %dma_wait3A_69 = arith.constant 0 : i32
      %dma_wait3A_70 = tpu.memref_slice %arg2[%dma_wait3A_68, %dma_wait3A_69] : memref<320000x128xf32, #tpu.memory_space<hbm>> -> memref<80x128xf32, #tpu.memory_space<hbm>>
      %dma_wait3A_71 = arith.constant 0 : i32
      %dma_wait3A_72 = arith.constant 0 : i32
      %dma_wait3A_73 = tpu.memref_slice %arg2[%dma_wait3A_71, %dma_wait3A_72] : memref<320000x128xf32, #tpu.memory_space<hbm>> -> memref<80x128xf32, #tpu.memory_space<hbm>>
      tpu.wait_dma2 semaphore(%arg11 : memref<!tpu.dma_semaphore, #tpu.memory_space<semaphore_mem>>) src(%dma_wait3A_73 : memref<80x128xf32, #tpu.memory_space<hbm>>) dst(%arg8 : memref<80x128xf32, #tpu.memory_space<vmem>>)
      %dma_start3A_74 = arith.constant 0 : i32
      %dma_start3A_75 = arith.constant 0 : i32
      %dma_start3A_76 = tpu.memref_slice %arg10[%dma_start3A_74, %dma_start3A_75] : memref<10000x128xf32, #tpu.memory_space<vmem_shared>> -> memref<10000x128xf32, #tpu.memory_space<vmem_shared>>
      tpu.enqueue_indirect_dma source(%arg8 : memref<80x128xf32, #tpu.memory_space<vmem>>) target(%dma_start3A_76 : memref<10000x128xf32, #tpu.memory_space<vmem_shared>>) offsets(%arg6 : memref<80xi32, #tpu.memory_space<vmem>>) semaphore(%arg13 : memref<!tpu.dma_semaphore, #tpu.memory_space<semaphore_mem>>) {add = true}
      %dma_wait3A_77 = arith.constant 0 : i32
      %dma_wait3A_78 = tpu.memref_slice %arg3[%dma_wait3A_77] : memref<640000xi32, #tpu.memory_space<hbm>> -> memref<80xi32, #tpu.memory_space<hbm>>
      %dma_wait3A_79 = arith.constant 0 : i32
      %dma_wait3A_80 = tpu.memref_slice %arg3[%dma_wait3A_79] : memref<640000xi32, #tpu.memory_space<hbm>> -> memref<80xi32, #tpu.memory_space<hbm>>
      tpu.wait_dma2 semaphore(%arg12 : memref<!tpu.dma_semaphore, #tpu.memory_space<semaphore_mem>>) src(%dma_wait3A_80 : memref<80xi32, #tpu.memory_space<hbm>>) dst(%arg7 : memref<80xi32, #tpu.memory_space<vmem>>)
      %dma_wait3A_81 = arith.constant 0 : i32
      %dma_wait3A_82 = arith.constant 0 : i32
      %dma_wait3A_83 = tpu.memref_slice %arg2[%dma_wait3A_81, %dma_wait3A_82] : memref<320000x128xf32, #tpu.memory_space<hbm>> -> memref<80x128xf32, #tpu.memory_space<hbm>>
      %dma_wait3A_84 = arith.constant 0 : i32
      %dma_wait3A_85 = arith.constant 0 : i32
      %dma_wait3A_86 = tpu.memref_slice %arg2[%dma_wait3A_84, %dma_wait3A_85] : memref<320000x128xf32, #tpu.memory_space<hbm>> -> memref<80x128xf32, #tpu.memory_space<hbm>>
      tpu.wait_dma2 semaphore(%arg12 : memref<!tpu.dma_semaphore, #tpu.memory_space<semaphore_mem>>) src(%dma_wait3A_86 : memref<80x128xf32, #tpu.memory_space<hbm>>) dst(%arg9 : memref<80x128xf32, #tpu.memory_space<vmem>>)
      %dma_start3A_87 = arith.constant 0 : i32
      %dma_start3A_88 = arith.constant 0 : i32
      %dma_start3A_89 = tpu.memref_slice %arg10[%dma_start3A_87, %dma_start3A_88] : memref<10000x128xf32, #tpu.memory_space<vmem_shared>> -> memref<10000x128xf32, #tpu.memory_space<vmem_shared>>
      tpu.enqueue_indirect_dma source(%arg9 : memref<80x128xf32, #tpu.memory_space<vmem>>) target(%dma_start3A_89 : memref<10000x128xf32, #tpu.memory_space<vmem_shared>>) offsets(%arg7 : memref<80xi32, #tpu.memory_space<vmem>>) semaphore(%arg14 : memref<!tpu.dma_semaphore, #tpu.memory_space<semaphore_mem>>) {add = true}
      %dma_wait3A_90 = arith.constant 0 : i32
      %dma_wait3A_91 = arith.constant 0 : i32
      %dma_wait3A_92 = tpu.memref_slice %arg2[%dma_wait3A_90, %dma_wait3A_91] : memref<320000x128xf32, #tpu.memory_space<hbm>> -> memref<80x128xf32, #tpu.memory_space<hbm>>
      %dma_wait3A_93 = arith.constant 0 : i32
      %dma_wait3A_94 = arith.constant 0 : i32
      %dma_wait3A_95 = tpu.memref_slice %arg2[%dma_wait3A_93, %dma_wait3A_94] : memref<320000x128xf32, #tpu.memory_space<hbm>> -> memref<80x128xf32, #tpu.memory_space<hbm>>
      tpu.wait_dma2 semaphore(%arg13 : memref<!tpu.dma_semaphore, #tpu.memory_space<semaphore_mem>>) src(%dma_wait3A_95 : memref<80x128xf32, #tpu.memory_space<hbm>>) dst(%arg8 : memref<80x128xf32, #tpu.memory_space<vmem>>)
      %lt3A = arith.constant 124 : i32
      %lt3A_96 = arith.cmpi slt, %scan3A_47, %lt3A : i32
      %convert_element_type3A_97 = arith.extui %lt3A_96 : i1 to i32
      %cond3A_98 = arith.constant 0 : i32
      %cond3A_99 = arith.cmpi ne, %convert_element_type3A_97, %cond3A_98 : i32
      scf.if %cond3A_99 {
        %add3A_100 = arith.constant 2 : i32
        %add3A_101 = arith.addi %mul3A_49, %add3A_100 : i32
        %mul3A_102 = arith.constant 80 : i32
        %mul3A_103 = arith.muli %add3A_101, %mul3A_102 : i32
        %add3A_104 = arith.addi %add3A, %mul3A_103 : i32
        %dma_start3A_105 = tpu.memref_slice %arg3[%add3A_104] : memref<640000xi32, #tpu.memory_space<hbm>> -> memref<80xi32, #tpu.memory_space<hbm>>
        %dma_start3A_106 = tpu.memref_slice %arg3[%add3A_104] : memref<640000xi32, #tpu.memory_space<hbm>> -> memref<80xi32, #tpu.memory_space<hbm>>
        tpu.enqueue_dma source(%dma_start3A_106 : memref<80xi32, #tpu.memory_space<hbm>>) target(%arg6 : memref<80xi32, #tpu.memory_space<vmem>>) target_semaphore(%arg11 : memref<!tpu.dma_semaphore, #tpu.memory_space<semaphore_mem>>)
        %add3A_107 = arith.addi %mul3A_14, %mul3A_103 : i32
        %dma_start3A_108 = arith.constant 0 : i32
        %dma_start3A_109 = tpu.memref_slice %arg2[%add3A_107, %dma_start3A_108] : memref<320000x128xf32, #tpu.memory_space<hbm>> -> memref<80x128xf32, #tpu.memory_space<hbm>>
        %dma_start3A_110 = arith.constant 0 : i32
        %dma_start3A_111 = tpu.memref_slice %arg2[%add3A_107, %dma_start3A_110] : memref<320000x128xf32, #tpu.memory_space<hbm>> -> memref<80x128xf32, #tpu.memory_space<hbm>>
        tpu.enqueue_dma source(%dma_start3A_111 : memref<80x128xf32, #tpu.memory_space<hbm>>) target(%arg8 : memref<80x128xf32, #tpu.memory_space<vmem>>) target_semaphore(%arg11 : memref<!tpu.dma_semaphore, #tpu.memory_space<semaphore_mem>>)
      } else {
      }
    }
    %scan3A_30 = arith.constant 125 : i32
    %dma_wait3A = arith.constant 0 : i32
    %dma_wait3A_31 = arith.constant 0 : i32
    %dma_wait3A_32 = tpu.memref_slice %arg2[%dma_wait3A, %dma_wait3A_31] : memref<320000x128xf32, #tpu.memory_space<hbm>> -> memref<80x128xf32, #tpu.memory_space<hbm>>
    %dma_wait3A_33 = arith.constant 0 : i32
    %dma_wait3A_34 = arith.constant 0 : i32
    %dma_wait3A_35 = tpu.memref_slice %arg2[%dma_wait3A_33, %dma_wait3A_34] : memref<320000x128xf32, #tpu.memory_space<hbm>> -> memref<80x128xf32, #tpu.memory_space<hbm>>
    tpu.wait_dma2 semaphore(%arg14 : memref<!tpu.dma_semaphore, #tpu.memory_space<semaphore_mem>>) src(%dma_wait3A_35 : memref<80x128xf32, #tpu.memory_space<hbm>>) dst(%arg9 : memref<80x128xf32, #tpu.memory_space<vmem>>)
    %barrier3A_36 = arith.constant 0 : index
    tpu.barrier barrier_id(%barrier3A_36)
    %while3A_37 = arith.constant 0 : i32
    %while3A_38 = arith.constant 0 : i32
    %while3A_39 = arith.subi %select_n3A_3, %while3A_38 : i32
    %while3A_40 = arith.addi %while3A_38, %while3A_39 : i32
    %while3A_41 = arith.constant 1 : i32
    %while3A_42 = arith.divsi %while3A_39, %while3A_41 : i32
    %while3A_43 = arith.muli %while3A_42, %while3A_41 : i32
    %while3A_44 = arith.addi %while3A_38, %while3A_43 : i32
    %while3A_45 = arith.constant 1 : i32
    scf.for %while3A_47 = %while3A_38 to %while3A_44 step %while3A_45  : i32 {
      %mul3A_48 = arith.constant 80 : i32
      %mul3A_49 = arith.muli %while3A_47, %mul3A_48 : i32
      %add3A_50 = arith.addi %mul3A_0, %mul3A_49 : i32
      "tpu.region"() ({
        %run_scoped3A = tpu.sem_alloc : memref<!tpu.dma_semaphore, #tpu.memory_space<semaphore_mem>>
        %dma_start3A_51 = arith.constant 0 : i32
        %dma_start3A_52 = tpu.memref_slice %arg10[%add3A_50, %dma_start3A_51] : memref<10000x128xf32, #tpu.memory_space<vmem_shared>> -> memref<80x128xf32, #tpu.memory_space<vmem_shared>>
        %dma_start3A_53 = arith.constant 0 : i32
        %dma_start3A_54 = tpu.memref_slice %arg10[%add3A_50, %dma_start3A_53] : memref<10000x128xf32, #tpu.memory_space<vmem_shared>> -> memref<80x128xf32, #tpu.memory_space<vmem_shared>>
        tpu.enqueue_dma source(%dma_start3A_54 : memref<80x128xf32, #tpu.memory_space<vmem_shared>>) target(%arg8 : memref<80x128xf32, #tpu.memory_space<vmem>>) target_semaphore(%run_scoped3A : memref<!tpu.dma_semaphore, #tpu.memory_space<semaphore_mem>>)
        %dma_wait3A_55 = arith.constant 0 : i32
        %dma_wait3A_56 = tpu.memref_slice %arg10[%add3A_50, %dma_wait3A_55] : memref<10000x128xf32, #tpu.memory_space<vmem_shared>> -> memref<80x128xf32, #tpu.memory_space<vmem_shared>>
        %dma_wait3A_57 = arith.constant 0 : i32
        %dma_wait3A_58 = tpu.memref_slice %arg10[%add3A_50, %dma_wait3A_57] : memref<10000x128xf32, #tpu.memory_space<vmem_shared>> -> memref<80x128xf32, #tpu.memory_space<vmem_shared>>
        tpu.wait_dma2 semaphore(%run_scoped3A : memref<!tpu.dma_semaphore, #tpu.memory_space<semaphore_mem>>) src(%dma_wait3A_58 : memref<80x128xf32, #tpu.memory_space<vmem_shared>>) dst(%arg8 : memref<80x128xf32, #tpu.memory_space<vmem>>)
        tpu.yield
      }) : () -> ()
      "tpu.region"() ({
        %run_scoped3A = tpu.sem_alloc : memref<!tpu.dma_semaphore, #tpu.memory_space<semaphore_mem>>
        %dma_start3A_51 = arith.constant 0 : i32
        %dma_start3A_52 = tpu.memref_slice %arg5[%arg0, %add3A_50, %dma_start3A_51] : memref<2x10000x128xf32, #tpu.memory_space<hbm>> -> memref<1x80x128xf32, #tpu.memory_space<hbm>>
        %dma_start3A_53 = tpu.memref_squeeze %dma_start3A_52 : memref<1x80x128xf32, #tpu.memory_space<hbm>> -> memref<80x128xf32, #tpu.memory_space<hbm>>
        %dma_start3A_54 = arith.constant 0 : i32
        %dma_start3A_55 = tpu.memref_slice %arg5[%arg0, %add3A_50, %dma_start3A_54] : memref<2x10000x128xf32, #tpu.memory_space<hbm>> -> memref<1x80x128xf32, #tpu.memory_space<hbm>>
        %dma_start3A_56 = tpu.memref_squeeze %dma_start3A_55 : memref<1x80x128xf32, #tpu.memory_space<hbm>> -> memref<80x128xf32, #tpu.memory_space<hbm>>
        tpu.enqueue_dma source(%arg8 : memref<80x128xf32, #tpu.memory_space<vmem>>) target(%dma_start3A_56 : memref<80x128xf32, #tpu.memory_space<hbm>>) target_semaphore(%run_scoped3A : memref<!tpu.dma_semaphore, #tpu.memory_space<semaphore_mem>>)
        %dma_wait3A_57 = arith.constant 0 : i32
        %dma_wait3A_58 = tpu.memref_slice %arg5[%arg0, %add3A_50, %dma_wait3A_57] : memref<2x10000x128xf32, #tpu.memory_space<hbm>> -> memref<1x80x128xf32, #tpu.memory_space<hbm>>
        %dma_wait3A_59 = tpu.memref_squeeze %dma_wait3A_58 : memref<1x80x128xf32, #tpu.memory_space<hbm>> -> memref<80x128xf32, #tpu.memory_space<hbm>>
        %dma_wait3A_60 = arith.constant 0 : i32
        %dma_wait3A_61 = tpu.memref_slice %arg5[%arg0, %add3A_50, %dma_wait3A_60] : memref<2x10000x128xf32, #tpu.memory_space<hbm>> -> memref<1x80x128xf32, #tpu.memory_space<hbm>>
        %dma_wait3A_62 = tpu.memref_squeeze %dma_wait3A_61 : memref<1x80x128xf32, #tpu.memory_space<hbm>> -> memref<80x128xf32, #tpu.memory_space<hbm>>
        tpu.wait_dma2 semaphore(%run_scoped3A : memref<!tpu.dma_semaphore, #tpu.memory_space<semaphore_mem>>) src(%arg8 : memref<80x128xf32, #tpu.memory_space<vmem>>) dst(%dma_wait3A_62 : memref<80x128xf32, #tpu.memory_space<hbm>>)
        tpu.yield
      }) : () -> ()
    }
    %while3A_46 = arith.constant 1 : i32
    scf.for %while3A_47 = %while3A_44 to %while3A_40 step %while3A_46  : i32 {
      %mul3A_48 = arith.constant 80 : i32
      %mul3A_49 = arith.muli %while3A_47, %mul3A_48 : i32
      %add3A_50 = arith.addi %mul3A_0, %mul3A_49 : i32
      "tpu.region"() ({
        %run_scoped3A = tpu.sem_alloc : memref<!tpu.dma_semaphore, #tpu.memory_space<semaphore_mem>>
        %dma_start3A_51 = arith.constant 0 : i32
        %dma_start3A_52 = tpu.memref_slice %arg10[%add3A_50, %dma_start3A_51] : memref<10000x128xf32, #tpu.memory_space<vmem_shared>> -> memref<80x128xf32, #tpu.memory_space<vmem_shared>>
        %dma_start3A_53 = arith.constant 0 : i32
        %dma_start3A_54 = tpu.memref_slice %arg10[%add3A_50, %dma_start3A_53] : memref<10000x128xf32, #tpu.memory_space<vmem_shared>> -> memref<80x128xf32, #tpu.memory_space<vmem_shared>>
        tpu.enqueue_dma source(%dma_start3A_54 : memref<80x128xf32, #tpu.memory_space<vmem_shared>>) target(%arg8 : memref<80x128xf32, #tpu.memory_space<vmem>>) target_semaphore(%run_scoped3A : memref<!tpu.dma_semaphore, #tpu.memory_space<semaphore_mem>>)
        %dma_wait3A_55 = arith.constant 0 : i32
        %dma_wait3A_56 = tpu.memref_slice %arg10[%add3A_50, %dma_wait3A_55] : memref<10000x128xf32, #tpu.memory_space<vmem_shared>> -> memref<80x128xf32, #tpu.memory_space<vmem_shared>>
        %dma_wait3A_57 = arith.constant 0 : i32
        %dma_wait3A_58 = tpu.memref_slice %arg10[%add3A_50, %dma_wait3A_57] : memref<10000x128xf32, #tpu.memory_space<vmem_shared>> -> memref<80x128xf32, #tpu.memory_space<vmem_shared>>
        tpu.wait_dma2 semaphore(%run_scoped3A : memref<!tpu.dma_semaphore, #tpu.memory_space<semaphore_mem>>) src(%dma_wait3A_58 : memref<80x128xf32, #tpu.memory_space<vmem_shared>>) dst(%arg8 : memref<80x128xf32, #tpu.memory_space<vmem>>)
        tpu.yield
      }) : () -> ()
      "tpu.region"() ({
        %run_scoped3A = tpu.sem_alloc : memref<!tpu.dma_semaphore, #tpu.memory_space<semaphore_mem>>
        %dma_start3A_51 = arith.constant 0 : i32
        %dma_start3A_52 = tpu.memref_slice %arg5[%arg0, %add3A_50, %dma_start3A_51] : memref<2x10000x128xf32, #tpu.memory_space<hbm>> -> memref<1x80x128xf32, #tpu.memory_space<hbm>>
        %dma_start3A_53 = tpu.memref_squeeze %dma_start3A_52 : memref<1x80x128xf32, #tpu.memory_space<hbm>> -> memref<80x128xf32, #tpu.memory_space<hbm>>
        %dma_start3A_54 = arith.constant 0 : i32
        %dma_start3A_55 = tpu.memref_slice %arg5[%arg0, %add3A_50, %dma_start3A_54] : memref<2x10000x128xf32, #tpu.memory_space<hbm>> -> memref<1x80x128xf32, #tpu.memory_space<hbm>>
        %dma_start3A_56 = tpu.memref_squeeze %dma_start3A_55 : memref<1x80x128xf32, #tpu.memory_space<hbm>> -> memref<80x128xf32, #tpu.memory_space<hbm>>
        tpu.enqueue_dma source(%arg8 : memref<80x128xf32, #tpu.memory_space<vmem>>) target(%dma_start3A_56 : memref<80x128xf32, #tpu.memory_space<hbm>>) target_semaphore(%run_scoped3A : memref<!tpu.dma_semaphore, #tpu.memory_space<semaphore_mem>>)
        %dma_wait3A_57 = arith.constant 0 : i32
        %dma_wait3A_58 = tpu.memref_slice %arg5[%arg0, %add3A_50, %dma_wait3A_57] : memref<2x10000x128xf32, #tpu.memory_space<hbm>> -> memref<1x80x128xf32, #tpu.memory_space<hbm>>
        %dma_wait3A_59 = tpu.memref_squeeze %dma_wait3A_58 : memref<1x80x128xf32, #tpu.memory_space<hbm>> -> memref<80x128xf32, #tpu.memory_space<hbm>>
        %dma_wait3A_60 = arith.constant 0 : i32
        %dma_wait3A_61 = tpu.memref_slice %arg5[%arg0, %add3A_50, %dma_wait3A_60] : memref<2x10000x128xf32, #tpu.memory_space<hbm>> -> memref<1x80x128xf32, #tpu.memory_space<hbm>>
        %dma_wait3A_62 = tpu.memref_squeeze %dma_wait3A_61 : memref<1x80x128xf32, #tpu.memory_space<hbm>> -> memref<80x128xf32, #tpu.memory_space<hbm>>
        tpu.wait_dma2 semaphore(%run_scoped3A : memref<!tpu.dma_semaphore, #tpu.memory_space<semaphore_mem>>) src(%arg8 : memref<80x128xf32, #tpu.memory_space<vmem>>) dst(%dma_wait3A_62 : memref<80x128xf32, #tpu.memory_space<hbm>>)
        tpu.yield
      }) : () -> ()
    }
    return
  }
}

module attributes {stable_mosaic.version = 14 : i64} {
  func.func @_dense1_body(%arg0: i32, %arg1: memref<1000x128xf32, #tpu.memory_space<vmem>>, %arg2: memref<128x128xf32, #tpu.memory_space<vmem>>, %arg3: memref<128x128xf32, #tpu.memory_space<vmem>>, %arg4: memref<1000x128xf32, #tpu.memory_space<vmem>>, %arg5: memref<1000x128xf32, #tpu.memory_space<vmem>>) attributes {dimension_semantics = [#tpu.dimension_semantics<arbitrary>], iteration_bounds = array<i64: 10>, scalar_prefetch = 0 : i64, scratch_operands = 0 : i64, tpu.core_type = #tpu.core_type<tc>, window_params = [{transform_indices = @transform_0, window_bounds = array<i64: 1000, 128>}, {pipeline_mode = #tpu.pipeline_mode<synchronous>, transform_indices = @transform_1, window_bounds = array<i64: 128, 128>}, {pipeline_mode = #tpu.pipeline_mode<synchronous>, transform_indices = @transform_2, window_bounds = array<i64: 128, 128>}, {transform_indices = @transform_3, window_bounds = array<i64: 1000, 128>}, {transform_indices = @transform_4, window_bounds = array<i64: 1000, 128>}]} {
    %get3A = arith.constant 0 : index
    %get3A_0 = arith.constant 0 : index
    %get3A_1 = vector.load %arg1[%get3A, %get3A_0] : memref<1000x128xf32, #tpu.memory_space<vmem>>, vector<1000x128xf32>
    %get3A_2 = arith.constant 0 : index
    %get3A_3 = arith.constant 0 : index
    %get3A_4 = vector.load %arg2[%get3A_2, %get3A_3] : memref<128x128xf32, #tpu.memory_space<vmem>>, vector<128x128xf32>
    %dot_general3A = arith.constant dense<0.000000e+00> : vector<1000x128xf32>
    %dot_general3A_5 = tpu.matmul %get3A_1, %get3A_4, %dot_general3A {dimension_numbers = #tpu.dot_dimension_numbers<[1], [0], [0], [1], [0, 0, 1, 1], [], []>, transpose_lhs_hint = false} : vector<1000x128xf32>, vector<128x128xf32>, vector<1000x128xf32> -> vector<1000x128xf32>
    %swap3A = arith.constant 0 : index
    %swap3A_6 = arith.constant 0 : index
    %swap3A_7 = vector.load %arg4[%swap3A, %swap3A_6] : memref<1000x128xf32, #tpu.memory_space<vmem>>, vector<1000x128xf32>
    tpu.vector_store %arg4[%swap3A, %swap3A_6], %dot_general3A_5 {strides = array<i32>} : memref<1000x128xf32, #tpu.memory_space<vmem>>, vector<1000x128xf32>,
    %get3A_8 = arith.constant 0 : index
    %get3A_9 = arith.constant 0 : index
    %get3A_10 = vector.load %arg3[%get3A_8, %get3A_9] : memref<128x128xf32, #tpu.memory_space<vmem>>, vector<128x128xf32>
    %dot_general3A_11 = arith.constant dense<0.000000e+00> : vector<1000x128xf32>
    %dot_general3A_12 = tpu.matmul %get3A_1, %get3A_10, %dot_general3A_11 {dimension_numbers = #tpu.dot_dimension_numbers<[1], [0], [0], [1], [0, 0, 1, 1], [], []>, transpose_lhs_hint = false} : vector<1000x128xf32>, vector<128x128xf32>, vector<1000x128xf32> -> vector<1000x128xf32>
    %swap3A_13 = arith.constant 0 : index
    %swap3A_14 = arith.constant 0 : index
    %swap3A_15 = vector.load %arg5[%swap3A_13, %swap3A_14] : memref<1000x128xf32, #tpu.memory_space<vmem>>, vector<1000x128xf32>
    tpu.vector_store %arg5[%swap3A_13, %swap3A_14], %dot_general3A_12 {strides = array<i32>} : memref<1000x128xf32, #tpu.memory_space<vmem>>, vector<1000x128xf32>,
    return
  }
  func.func @transform_0(%arg0: i32) -> (i32, i32) {
    %c0_i32 = arith.constant 0 : i32
    %c0_i32_0 = arith.constant 0 : i32
    return %arg0, %c0_i32 : i32, i32
  }
  func.func @transform_1(%arg0: i32) -> (i32, i32) {
    %c0_i32 = arith.constant 0 : i32
    %c0_i32_0 = arith.constant 0 : i32
    %c0_i32_1 = arith.constant 0 : i32
    return %c0_i32, %c0_i32_0 : i32, i32
  }
  func.func @transform_2(%arg0: i32) -> (i32, i32) {
    %c0_i32 = arith.constant 0 : i32
    %c0_i32_0 = arith.constant 0 : i32
    %c0_i32_1 = arith.constant 0 : i32
    return %c0_i32, %c0_i32_0 : i32, i32
  }
  func.func @transform_3(%arg0: i32) -> (i32, i32) {
    %c0_i32 = arith.constant 0 : i32
    %c0_i32_0 = arith.constant 0 : i32
    return %arg0, %c0_i32 : i32, i32
  }
  func.func @transform_4(%arg0: i32) -> (i32, i32) {
    %c0_i32 = arith.constant 0 : i32
    %c0_i32_0 = arith.constant 0 : i32
    return %arg0, %c0_i32 : i32, i32
  }
}

module attributes {stable_mosaic.version = 14 : i64} {
  func.func @_edge_body(%arg0: i32, %arg1: memref<4000x16xf32, #tpu.memory_space<vmem>>, %arg2: memref<16x128xf32, #tpu.memory_space<vmem>>, %arg3: memref<1x128xf32, #tpu.memory_space<vmem>>, %arg4: memref<4000x128xf32, #tpu.memory_space<vmem>>, %arg5: memref<4000x128xf32, #tpu.memory_space<vmem>>) attributes {dimension_semantics = [#tpu.dimension_semantics<arbitrary>], iteration_bounds = array<i64: 80>, scalar_prefetch = 0 : i64, scratch_operands = 0 : i64, tpu.core_type = #tpu.core_type<tc>, window_params = [{transform_indices = @transform_0, window_bounds = array<i64: 4000, 16>}, {pipeline_mode = #tpu.pipeline_mode<synchronous>, transform_indices = @transform_1, window_bounds = array<i64: 16, 128>}, {pipeline_mode = #tpu.pipeline_mode<synchronous>, transform_indices = @transform_2, window_bounds = array<i64: 1, 128>}, {transform_indices = @transform_3, window_bounds = array<i64: 4000, 128>}, {transform_indices = @transform_4, window_bounds = array<i64: 4000, 128>}]} {
    %get3A = arith.constant 0 : index
    %get3A_0 = arith.constant 0 : index
    %get3A_1 = vector.load %arg1[%get3A, %get3A_0] : memref<4000x16xf32, #tpu.memory_space<vmem>>, vector<4000x16xf32>
    %get3A_2 = arith.constant 0 : index
    %get3A_3 = arith.constant 0 : index
    %get3A_4 = vector.load %arg2[%get3A_2, %get3A_3] : memref<16x128xf32, #tpu.memory_space<vmem>>, vector<16x128xf32>
    %dot_general3A = arith.constant dense<0.000000e+00> : vector<4000x128xf32>
    %dot_general3A_5 = tpu.matmul %get3A_1, %get3A_4, %dot_general3A {dimension_numbers = #tpu.dot_dimension_numbers<[1], [0], [0], [1], [0, 0, 1, 1], [], []>, transpose_lhs_hint = false} : vector<4000x16xf32>, vector<16x128xf32>, vector<4000x128xf32> -> vector<4000x128xf32>
    %get3A_6 = arith.constant 0 : index
    %get3A_7 = arith.constant 0 : index
    %get3A_8 = vector.load %arg3[%get3A_6, %get3A_7] : memref<1x128xf32, #tpu.memory_space<vmem>>, vector<1x128xf32>
    %add3A = vector.broadcast %get3A_8 : vector<1x128xf32> to vector<4000x128xf32>
    %add3A_9 = arith.addf %dot_general3A_5, %add3A : vector<4000x128xf32>
    %get3A_10 = arith.constant 0 : index
    %get3A_11 = arith.constant 0 : index
    %get3A_12 = vector.load %arg4[%get3A_10, %get3A_11] : memref<4000x128xf32, #tpu.memory_space<vmem>>, vector<4000x128xf32>
    %add3A_13 = arith.addf %add3A_9, %get3A_12 : vector<4000x128xf32>
    %swap3A = arith.constant 0 : index
    %swap3A_14 = arith.constant 0 : index
    %swap3A_15 = vector.load %arg5[%swap3A, %swap3A_14] : memref<4000x128xf32, #tpu.memory_space<vmem>>, vector<4000x128xf32>
    tpu.vector_store %arg5[%swap3A, %swap3A_14], %add3A_13 {strides = array<i32>} : memref<4000x128xf32, #tpu.memory_space<vmem>>, vector<4000x128xf32>,
    return
  }
  func.func @transform_0(%arg0: i32) -> (i32, i32) {
    %c0_i32 = arith.constant 0 : i32
    %c0_i32_0 = arith.constant 0 : i32
    return %arg0, %c0_i32 : i32, i32
  }
  func.func @transform_1(%arg0: i32) -> (i32, i32) {
    %c0_i32 = arith.constant 0 : i32
    %c0_i32_0 = arith.constant 0 : i32
    %c0_i32_1 = arith.constant 0 : i32
    return %c0_i32, %c0_i32_0 : i32, i32
  }
  func.func @transform_2(%arg0: i32) -> (i32, i32) {
    %c0_i32 = arith.constant 0 : i32
    %c0_i32_0 = arith.constant 0 : i32
    %c0_i32_1 = arith.constant 0 : i32
    return %c0_i32, %c0_i32_0 : i32, i32
  }
  func.func @transform_3(%arg0: i32) -> (i32, i32) {
    %c0_i32 = arith.constant 0 : i32
    %c0_i32_0 = arith.constant 0 : i32
    return %arg0, %c0_i32 : i32, i32
  }
  func.func @transform_4(%arg0: i32) -> (i32, i32) {
    %c0_i32 = arith.constant 0 : i32
    %c0_i32_0 = arith.constant 0 : i32
    return %arg0, %c0_i32 : i32, i32
  }
}

module attributes {stable_mosaic.version = 14 : i64} {
  func.func @_dense2_body(%arg0: i32, %arg1: memref<1000x128xf32, #tpu.memory_space<vmem>>, %arg2: memref<2x1000x128xf32, #tpu.memory_space<vmem>>, %arg3: memref<128x128xf32, #tpu.memory_space<vmem>>, %arg4: memref<128x128xf32, #tpu.memory_space<vmem>>, %arg5: memref<128x128xf32, #tpu.memory_space<vmem>>, %arg6: memref<1x128xf32, #tpu.memory_space<vmem>>, %arg7: memref<1000x128xf32, #tpu.memory_space<vmem>>) attributes {dimension_semantics = [#tpu.dimension_semantics<arbitrary>], iteration_bounds = array<i64: 10>, scalar_prefetch = 0 : i64, scratch_operands = 0 : i64, tpu.core_type = #tpu.core_type<tc>, window_params = [{transform_indices = @transform_0, window_bounds = array<i64: 1000, 128>}, {transform_indices = @transform_1, window_bounds = array<i64: 2, 1000, 128>}, {pipeline_mode = #tpu.pipeline_mode<synchronous>, transform_indices = @transform_2, window_bounds = array<i64: 128, 128>}, {pipeline_mode = #tpu.pipeline_mode<synchronous>, transform_indices = @transform_3, window_bounds = array<i64: 128, 128>}, {pipeline_mode = #tpu.pipeline_mode<synchronous>, transform_indices = @transform_4, window_bounds = array<i64: 128, 128>}, {pipeline_mode = #tpu.pipeline_mode<synchronous>, transform_indices = @transform_5, window_bounds = array<i64: 1, 128>}, {transform_indices = @transform_6, window_bounds = array<i64: 1000, 128>}]} {
    %get3A = arith.constant 0 : index
    %get3A_0 = arith.constant 0 : index
    %get3A_1 = vector.load %arg1[%get3A, %get3A_0] : memref<1000x128xf32, #tpu.memory_space<vmem>>, vector<1000x128xf32>
    %get3A_2 = arith.constant 0 : index
    %get3A_3 = arith.constant 0 : index
    %get3A_4 = vector.load %arg3[%get3A_2, %get3A_3] : memref<128x128xf32, #tpu.memory_space<vmem>>, vector<128x128xf32>
    %dot_general3A = arith.constant dense<0.000000e+00> : vector<1000x128xf32>
    %dot_general3A_5 = tpu.matmul %get3A_1, %get3A_4, %dot_general3A {dimension_numbers = #tpu.dot_dimension_numbers<[1], [0], [0], [1], [0, 0, 1, 1], [], []>, transpose_lhs_hint = false} : vector<1000x128xf32>, vector<128x128xf32>, vector<1000x128xf32> -> vector<1000x128xf32>
    %get3A_6 = arith.constant 0 : index
    %get3A_7 = arith.constant 0 : index
    %get3A_8 = arith.constant 0 : index
    %get3A_9 = vector.load %arg2[%get3A_6, %get3A_7, %get3A_8] : memref<2x1000x128xf32, #tpu.memory_space<vmem>>, vector<1x1000x128xf32>
    %get3A_10 = vector.shape_cast %get3A_9 : vector<1x1000x128xf32> to vector<1000x128xf32>
    %get3A_11 = arith.constant 0 : index
    %get3A_12 = arith.constant 0 : index
    %get3A_13 = vector.load %arg4[%get3A_11, %get3A_12] : memref<128x128xf32, #tpu.memory_space<vmem>>, vector<128x128xf32>
    %dot_general3A_14 = arith.constant dense<0.000000e+00> : vector<1000x128xf32>
    %dot_general3A_15 = tpu.matmul %get3A_10, %get3A_13, %dot_general3A_14 {dimension_numbers = #tpu.dot_dimension_numbers<[1], [0], [0], [1], [0, 0, 1, 1], [], []>, transpose_lhs_hint = false} : vector<1000x128xf32>, vector<128x128xf32>, vector<1000x128xf32> -> vector<1000x128xf32>
    %add3A = arith.addf %dot_general3A_5, %dot_general3A_15 : vector<1000x128xf32>
    %get3A_16 = arith.constant 1 : index
    %get3A_17 = arith.constant 0 : index
    %get3A_18 = arith.constant 0 : index
    %get3A_19 = vector.load %arg2[%get3A_16, %get3A_17, %get3A_18] : memref<2x1000x128xf32, #tpu.memory_space<vmem>>, vector<1x1000x128xf32>
    %get3A_20 = vector.shape_cast %get3A_19 : vector<1x1000x128xf32> to vector<1000x128xf32>
    %get3A_21 = arith.constant 0 : index
    %get3A_22 = arith.constant 0 : index
    %get3A_23 = vector.load %arg5[%get3A_21, %get3A_22] : memref<128x128xf32, #tpu.memory_space<vmem>>, vector<128x128xf32>
    %dot_general3A_24 = arith.constant dense<0.000000e+00> : vector<1000x128xf32>
    %dot_general3A_25 = tpu.matmul %get3A_20, %get3A_23, %dot_general3A_24 {dimension_numbers = #tpu.dot_dimension_numbers<[1], [0], [0], [1], [0, 0, 1, 1], [], []>, transpose_lhs_hint = false} : vector<1000x128xf32>, vector<128x128xf32>, vector<1000x128xf32> -> vector<1000x128xf32>
    %add3A_26 = arith.addf %add3A, %dot_general3A_25 : vector<1000x128xf32>
    %get3A_27 = arith.constant 0 : index
    %get3A_28 = arith.constant 0 : index
    %get3A_29 = vector.load %arg6[%get3A_27, %get3A_28] : memref<1x128xf32, #tpu.memory_space<vmem>>, vector<1x128xf32>
    %add3A_30 = vector.broadcast %get3A_29 : vector<1x128xf32> to vector<1000x128xf32>
    %add3A_31 = arith.addf %add3A_26, %add3A_30 : vector<1000x128xf32>
    %swap3A = arith.constant 0 : index
    %swap3A_32 = arith.constant 0 : index
    %swap3A_33 = vector.load %arg7[%swap3A, %swap3A_32] : memref<1000x128xf32, #tpu.memory_space<vmem>>, vector<1000x128xf32>
    tpu.vector_store %arg7[%swap3A, %swap3A_32], %add3A_31 {strides = array<i32>} : memref<1000x128xf32, #tpu.memory_space<vmem>>, vector<1000x128xf32>,
    return
  }
  func.func @transform_0(%arg0: i32) -> (i32, i32) {
    %c0_i32 = arith.constant 0 : i32
    %c0_i32_0 = arith.constant 0 : i32
    return %arg0, %c0_i32 : i32, i32
  }
  func.func @transform_1(%arg0: i32) -> (i32, i32, i32) {
    %c0_i32 = arith.constant 0 : i32
    %c0_i32_0 = arith.constant 0 : i32
    %c0_i32_1 = arith.constant 0 : i32
    return %c0_i32, %arg0, %c0_i32_0 : i32, i32, i32
  }
  func.func @transform_2(%arg0: i32) -> (i32, i32) {
    %c0_i32 = arith.constant 0 : i32
    %c0_i32_0 = arith.constant 0 : i32
    %c0_i32_1 = arith.constant 0 : i32
    return %c0_i32, %c0_i32_0 : i32, i32
  }
  func.func @transform_3(%arg0: i32) -> (i32, i32) {
    %c0_i32 = arith.constant 0 : i32
    %c0_i32_0 = arith.constant 0 : i32
    %c0_i32_1 = arith.constant 0 : i32
    return %c0_i32, %c0_i32_0 : i32, i32
  }
  func.func @transform_4(%arg0: i32) -> (i32, i32) {
    %c0_i32 = arith.constant 0 : i32
    %c0_i32_0 = arith.constant 0 : i32
    %c0_i32_1 = arith.constant 0 : i32
    return %c0_i32, %c0_i32_0 : i32, i32
  }
  func.func @transform_5(%arg0: i32) -> (i32, i32) {
    %c0_i32 = arith.constant 0 : i32
    %c0_i32_0 = arith.constant 0 : i32
    %c0_i32_1 = arith.constant 0 : i32
    return %c0_i32, %c0_i32_0 : i32, i32
  }
  func.func @transform_6(%arg0: i32) -> (i32, i32) {
    %c0_i32 = arith.constant 0 : i32
    %c0_i32_0 = arith.constant 0 : i32
    return %arg0, %c0_i32 : i32, i32
  }
}

</mosaic_0001>

<sc_bundles>
// kernel: kernel.10.cloned.1.call-start
scs
__scs_entry_jumppad:
0x0: {  	(pc) =	sbr.rel $0x88, $3  }
0x1: {  	(tag) =	ssettag $0x0;
	lr =	simm.s32 $0x1  }
0x2: {  	[smem:$0x3F99] =	sst lr;
	_ =	strace $0xD0000000  }
0x3: {  	_ = 	snop  }
0x4: {  	_ = 	snop  }
0x5: {  	_ = 	snop  }
0x6: {  	_ = 	snop  }
0x7: {  	_ = 	snop  }
__scs_overlays_trampoline_lowered:
0x8: {  	[smem:$0x3FA8] =	sst s0  }
0x9: {  	[smem:$0x3FA9] =	sst s1  }
0xa: {  	[smem:$0x3FAA] =	sst s2  }
0xb: {  	[smem:$0x3FAB] =	sst s3  }
0xc: {  	[smem:$0x3FAC] =	sst s4  }
0xd: {  	[smem:$0x3FAD] =	sst s5  }
0xe: {  	[smem:$0x3FAE] =	sst s6  }
0xf: {  	[smem:$0x3FAF] =	sst s7  }
0x10: {  	[smem:$0x3FB0] =	sst s8  }
0x11: {  	[smem:$0x3FB1] =	sst s9;
	s0 =	simm.s32 @!p0 $0x0  }
0x12: {  	s1 =	sld [smem:$0x3F97];
	s0 =	simm.s32 @p0 $0x1  }
0x13: {  	[smem:$0x3FB2] =	sst s0;
	s0 =	simm.s32 @!p1 $0x0  }
0x14: {  	s2 =	sld [smem:$0x3F96];
	s0 =	simm.s32 @p1 $0x1  }
0x15: {  	[smem:$0x3FB3] =	sst s0;
	s0 =	simm.s32 @!p2 $0x0  }
0x16: {  	s3 =	sld [smem:$0x3FDB];
	s0 =	simm.s32 @p2 $0x1  }
0x17: {  	s4 =	simm.s32 $0x1BF5;
	[smem:$0x3FB5] =	sst s0  }
0x18: {  	s0 =	sld [smem:$0x3F98];
	_ =	swait.ge [sflag:s4], $0x0  }
0x19: {  	s7 =	sld [smem:$0x3F99]  }
0x1a: {  	s8 =	sadd.s32 $0xFFFFE003, lr  }
0x1b: {  	s9 =	sadd.s32 $0xFFFFFEF7, lr;
	s5 =	simm.s32 $0xFFFFFFFF;
	p2 =	slt.u32 s8, $0xFFFFF086  }
0x1c: {  	p1 =	slt.u32 s9, $0xF7A;
	s5 =	simm.s32 @!p2 $0x0  }
0x1d: {  	s5 =	simm.s32 @p1 $0x1;
	p0 =	seq.s32 s7, s2  }
0x1e: {  	s7 =	smul.u32 @!p0 $0xF7A, s2;
	p2 =	seq.s32 @!p0 s5, $0x0  }
0x1f: {  	s9 =	smul.u32 $0xF7A, s1;
	s8 =	simm.s32 @!p0 $0x1BF5;
	p2 =	por !p2, p0  }
0x20: {  	[sflag:s8] =	ssyncset.s32 @!p0 $0xFFFFF086;
	s6 =	sadd.s32 @!p0 s3, s7;
	s7 =	simm.s32 @!p0 $0x108  }
0x21: {  	s3 =	sadd.s32 s3, s9;
	s6 =	sadd.s32 @!p0 $0x88, s6;
	s7 =	simm.s32 @p2 $0x1082  }
0x22: {  	[simem:s7], [sflag:s8] =	dma.local @!p0 [hbm:s6], $0xF7A  }
0x23: {  	s9 =	sor.u32 $0xD0000000, s2;
	s6 =	simm.s32 $0x108;
	_ =	swait.ge @!p0 [sflag:s8], $0x0  }
0x24: {  	s3 =	sadd.s32 $0x88, s3;
	s6 =	simm.s32 @!p1 $0x1082;
	[sflag:s4] =	ssyncset.s32 $0xFFFFF086  }
0x25: {  	[simem:s6], [sflag:s4] =	dma.local [hbm:s3], $0xF7A  }
0x26: {  	[smem:$0x3F99] =	sst s1;
	(tag) =	ssettag s2;
	_ =	strace s9  }
0x27: {  	s1 =	sld [smem:$0x3FA9]  }
0x28: {  	s2 =	sld [smem:$0x3FAA]  }
0x29: {  	s4 =	sld [smem:$0x3FAC]  }
0x2a: {  	p0 =	seq.s32 s5, $0x0;
	s5 =	sld [smem:$0x3FAD]  }
0x2b: {  	s6 =	sld [smem:$0x3FAE]  }
0x2c: {  	s7 =	sld [smem:$0x3FAF]  }
0x2d: {  	s3 =	simm.s32 $0x108;
	s8 =	sld [smem:$0x3FB0]  }
0x2e: {  	s3 =	simm.s32 @!p0 $0x1082;
	s9 =	sld [smem:$0x3FB1]  }
0x2f: {  	lr =	sadd.s32 s0, s3;
	s0 =	sld [smem:$0x3FA8]  }
0x30: {  	s3 =	sld [smem:$0x3FAB]  }
0x31: {  	[smem:$0x3FB4] =	sst s10  }
0x32: {  	s10 =	sld [smem:$0x3FB2];
	_ =	sdelay $0x3  }
0x33: {  	p0 =	seq.s32 s10, $0x1;
	s10 =	sld [smem:$0x3FB4];
	_ =	sdelay $0x3  }
0x34: {  	[smem:$0x3FB4] =	sst s10  }
0x35: {  	s10 =	sld [smem:$0x3FB3];
	_ =	sdelay $0x3  }
0x36: {  	p1 =	seq.s32 s10, $0x1;
	s10 =	sld [smem:$0x3FB4];
	_ =	sdelay $0x3  }
0x37: {  	[smem:$0x3FB4] =	sst s10  }
0x38: {  	s10 =	sld [smem:$0x3FB5]  }
0x39: {  	_ = 	snop;
	(pc) =	sbr.ind lr, $3  }
0x3a: {  	_ = 	snop  }
0x3b: {  	_ = 	snop  }
0x3c: {  	p2 =	seq.s32 s10, $0x1;
	s10 =	sld [smem:$0x3FB4]  }
0x3d: {  	_ =	shalt  }
0x3e: {  	_ =	shalt  }
0x3f: {  	_ =	shalt  }
0x40: {  	_ =	shalt  }
0x41: {  	_ =	shalt  }
0x42: {  	_ =	shalt  }
0x43: {  	_ =	shalt  }
0x44: {  	_ =	shalt  }
0x45: {  	_ =	shalt  }
0x46: {  	_ =	shalt  }
0x47: {  	_ =	shalt  }
0x48: {  	_ =	shalt  }
0x49: {  	_ =	shalt  }
0x4a: {  	_ =	shalt  }
0x4b: {  	_ =	shalt  }
0x4c: {  	_ =	shalt  }
0x4d: {  	_ =	shalt  }
0x4e: {  	_ =	shalt  }
0x4f: {  	_ =	shalt  }
0x50: {  	_ =	shalt  }
0x51: {  	_ =	shalt  }
0x52: {  	_ =	shalt  }
0x53: {  	_ =	shalt  }
0x54: {  	_ =	shalt  }
0x55: {  	_ =	shalt  }
0x56: {  	_ =	shalt  }
0x57: {  	_ =	shalt  }
0x58: {  	_ =	shalt  }
0x59: {  	_ =	shalt  }
0x5a: {  	_ =	shalt  }
0x5b: {  	_ =	shalt  }
0x5c: {  	_ =	shalt  }
0x5d: {  	_ =	shalt  }
0x5e: {  	_ =	shalt  }
0x5f: {  	_ =	shalt  }
0x60: {  	_ =	shalt  }
0x61: {  	_ =	shalt  }
0x62: {  	_ =	shalt  }
0x63: {  	_ =	shalt  }
0x64: {  	_ =	shalt  }
0x65: {  	_ =	shalt  }
0x66: {  	_ =	shalt  }
0x67: {  	_ =	shalt  }
0x68: {  	_ =	shalt  }
0x69: {  	_ =	shalt  }
0x6a: {  	_ =	shalt  }
0x6b: {  	_ =	shalt  }
0x6c: {  	_ =	shalt  }
0x6d: {  	_ =	shalt  }
0x6e: {  	_ =	shalt  }
0x6f: {  	_ =	shalt  }
0x70: {  	_ =	shalt  }
0x71: {  	_ =	shalt  }
0x72: {  	_ =	shalt  }
0x73: {  	_ =	shalt  }
0x74: {  	_ =	shalt  }
0x75: {  	_ =	shalt  }
0x76: {  	_ =	shalt  }
0x77: {  	_ =	shalt  }
0x78: {  	_ =	shalt  }
0x79: {  	_ =	shalt  }
0x7a: {  	_ =	shalt  }
0x7b: {  	_ =	shalt  }
0x7c: {  	_ =	shalt  }
0x7d: {  	_ =	shalt  }
0x7e: {  	_ =	shalt  }
0x7f: {  	_ =	shalt  }
0x80: {  	_ =	shalt  }
0x81: {  	_ =	shalt  }
0x82: {  	_ =	shalt  }
0x83: {  	_ =	shalt  }
0x84: {  	_ =	shalt  }
0x85: {  	_ =	shalt  }
0x86: {  	_ =	shalt  }
0x87: {  	_ =	shalt  }
.Lfunc_end0:
.L_simem_size_0:
called_computation.1_lowered:
.L_overlay_start_0:
0x88: {  	s2 =	sld [smem:$0x3FD9]  }
0x89: {  	s3 =	sld [smem:$0x3FFE];
	_ =	sdelay $0x1  }
0x8a: {  	s1 =	srdreg.scid  }
0x8b: {  	s0 =	sand.u32 $0x1, s1  }
0x8c: {  	s14 =	sshll.u32 s0, $0xA;
	s2 =	sadd.s32 s3, s2  }
0x8d: {  	s2 =	sadd.s32 s2, s14  }
0x8e: {  	[smem:$0x3FC0] =	sst s2  }
0x8f: {  	_ = 	snop  }
0x90: {  	s2 =	sld [smem:$0x3FD0];
	_ =	sdelay $0x2  }
0x91: {  	s15 =	simm.s32 $0xA;
	s4 =	simm.s32 $0x10  }
0x92: {  	[smem:s4], [sflag:s15] =	dma.local [hbm:s2], $0x1  }
0x93: {  	_ =	swait.eq [sflag:s15], $0x1  }
0x94: {  	[sflag:s15] =	ssyncset.done $0x0  }
0x95: {  	s16 =	sld [smem:$0x10];
	[sflag:s15] =	ssyncadd.s32 $0xFFFFFFFF  }
0x96: {  	s17 =	sld [smem:$0x11];
	(tm) =	ssettm $0x1  }
0x97: {  	s18 =	sld [smem:$0x3FFB];
	_ =	sdelay $0x3  }
0x98: {  	_ =	strace s18  }
0x99: {  	s4 =	sld [smem:$0x3FFC];
	_ =	sdelay $0x3  }
0x9a: {  	_ =	strace s4  }
0x9b: {  	s4 =	sld [smem:$0x3FFD];
	_ =	sdelay $0x3  }
0x9c: {  	_ =	strace s4  }
0x9d: {  	_ =	strace $0x8FFFFFFF  }
0x9e: {  	s19 =	sld [smem:$0x3FDB];
	_ =	sdelay $0x1  }
0x9f: {  	s5 =	simm.s32 $_scs_section_size  }
0xa0: {  	s6 =	simm.s32 $_size__tile_overlayer_lowered;
	s7 =	simm.s32 $_tile_overlayer_lowered  }
0xa1: {  	s22 =	simm.s32 $0x1BFF;
	s21 =	sshll.u32 s7, $0x1;
	s4 =	sadd.s32 s5, s19  }
0xa2: {  	s8 =	simm.s32 $0x0;
	s20 =	sshll.u32 s6, $0x1;
	s6 =	sadd.s32 s21, s4  }
0xa3: {  	[timem:s8], [sflag:s22] =	dma.local [hbm:s6], s20  }
0xa4: {  	_ =	swait.ge [sflag:s22], s20  }
0xa5: {  	s5 =	ssub.s32 $0x0, s20;
	[sflag:s22] =	ssyncset.done $0x0  }
0xa6: {  	[sflag:s22] =	ssyncadd.s32 s5;
	_ =	sdelay $0x1  }
0xa7: {  	s23 =	simm.s32 $0x1B8B  }
0xa8: {  	_ =	swait.ge [sflag:s23], $0x1  }
0xa9: {  	[sflag:s23] =	ssyncset.done $0x0  }
0xaa: {  	s25 =	simm.s32 $0x1B8E;
	s24 =	sld [smem:$0x3FFE];
	[sflag:s23] =	ssyncadd.s32 $0xFFFFFFFF  }
0xab: {  	s26 =	simm.s32 $execute0_lowered;
	[smem:$0x3FD2] =	sst s25  }
0xac: {  	s6 =	sshll.u32 s26, $0x1;
	_ =	strace $0x80000049;
	[dreg:$0x1] =	wrdreg $0xFFFFFFFF  }
0xad: {  	s28 =	simm.s32 $_size_execute0_lowered;
	s4 =	sadd.s32 s4, s6;
	[dreg:$0x0] =	wrdreg $0x0  }
0xae: {  	s6 =	sshll.u32 s28, $0x1;
	[dreg:$0x2] =	wrdreg s4  }
0xaf: {  	[dreg:$0x3] =	wrdreg s6  }
0xb0: {  	[dreg:$0x4] =	wrdreg $0xC0  }
0xb1: {  	_ =	task [dreg:s8], $0x5FFFF  }
0xb2: {  	[dreg:$0x1] =	wrdreg $0xFFFFFFFF  }
0xb3: {  	[dreg:$0x0] =	wrdreg $0x60  }
0xb4: {  	[dreg:$0x2] =	wrdreg s16  }
0xb5: {  	[dreg:$0x3] =	wrdreg s24  }
0xb6: {  	[dreg:$0x4] =	wrdreg s17  }
0xb7: {  	[dreg:$0x5] =	wrdreg $0x51000  }
0xb8: {  	[dreg:$0x6] =	wrdreg $0x9  }
0xb9: {  	_ =	task.clear_ibuf [dreg:s8], $0x7FFFF;
	_ =	strace $0x90000049  }
0xba: {  	s29 =	simm.s32 $0x9;
	_ =	strace $0x8000004B  }
0xbb: {  	_ =	swait.ge [sflag:s29], $0x1  }
0xbc: {  	[sflag:s29] =	ssyncadd.s32 $0xFFFFFFFF  }
0xbd: {  	_ =	strace $0x9000004B  }
0xbe: {  	_ =	sfence  }
0xbf: {  	s30 =	sld [smem:$0x0];
	_ =	sdelay $0x2  }
0xc0: {  	s31 =	sshll.u32 s1, $0xD;
	s1 =	sshrl.u32 s1, $0x2  }
0xc1: {  	s3 =	sand.u32 $0x4000, s31;
	s1 =	sadd.s32 s1, s30  }
0xc2: {  	s0 =	sor.u32 s3, s0;
	s1 =	sshll.u32 s1, $0x11  }
0xc3: {  	s0 =	sor.u32 s1, s0  }
0xc4: {  	s0 =	sadd.s32 $0x8F2B, s0  }
0xc5: {  	[sflag:s0] =	ssyncadd.remote.s32 $0x1  }
0xc6: {  	_ =	sfence.sel $0xFFFF  }
0xc7: {  	[dreg:$0x0] =	wrdreg $0xFFFFFFFF;
	(pc) =	sbr.abs _section_cstart, $3  }
0xc8: {  	[dreg:$0x1] =	wrdreg $0xFFFFFFFF  }
0xc9: {  	_ =	task.clear_ibuf [dreg:s8], $0x2FFFF;
	_ =	strace $0x9FFFFFFF  }
0xca: {  	(tm) =	ssettm $0x7FFFFFFF  }
0xcb: {  	_ =	shalt  }
tec
execute0_lowered:
.L_overlay_start_1:
0x0: {  	(tag) =	ssettag $0x1  }
0x1: {  	s0 =	rddreg [dreg:$0x0]  }
0x2: {  	s4 =	rddreg [dreg:$0x1]  }
0x3: {  	s14 =	rddreg [dreg:$0x2]  }
0x4: {  	s1 =	rddreg [dreg:$0x3]  }
0x5: {  	s3 =	simm.s32 $0x0;
	s5 =	srdreg.scid;
	s2 =	stileid.u32  }
0x6: {  	s21 =	simm.s32 $0x80;
	s22 =	simm.s32 $0x2900;
	s8 =	smul.u32 $0x4E20, s2  }
0x7: {  	s23 =	simm.s32 $0x1;
	s24 =	simm.s32 $0x50;
	s25 =	smul.u32 $0x4E200, s2  }
0x8: {  	s28 =	simm.s32 $0x4;
	s29 =	simm.s32 $0x0;
	s26 =	smul.u32 $0x2800, s2  }
0x9: {  	[smem:$0x7FF] =	sst s3;
	s7 =	sand.u32 $0x1, s5;
	s17 =	smul.u32 $0x50000, s2  }
0xa: {  	s15 =	sadd.s32 $0x9C6200, s4;
	s4 =	sadd.s32 $0x2200, s4;
	s20 =	smul.u32 $0x14000, s2  }
0xb: {  	p0 =	seq.s32 s2, $0xF;
	s5 =	ssub.s32 $0x2, s7;
	s9 =	smul.u32 $0x4E200, s7  }
0xc: {  	_ =	strace $0x8000004A;
	s19 =	smul.u32 $0x138800, s7;
	s6 =	sshrl.u32 s5, $0x1  }
0xd: {  	s14 =	sadd.s32 s26, s14;
	s30 =	sshrl.u32 s17, $0x2;
	s26 =	simm.s32 $0x3  }
0xe: {  	s10 =	ssub.s32 s5, s6;
	s5 =	simm.s32 $0x5;
	s6 =	simm.s32 $0x5  }
0xf: {  	s16 =	sadd.s32 s8, s9;
	s8 =	sadd.s32 s0, s25;
	s0 =	sadd.s32 s30, s1  }
0x10: {  	s19 =	sadd.s32 s20, s19;
	s20 =	simm.s32 $0x100;
	s25 =	simm.s32 $0x2  }
0x11: {  	s6 =	simm.s32 @!p0 $0x8;
	s9 =	sshrl.u32 s16, $0x3;
	s11 =	sadd.s32 $0x500, s8  }
0x12: {  	s13 =	sadd.s32 $0xA00, s8;
	s31 =	sadd.s32 $0x140, s16;
	s18 =	sadd.s32 $0xF0, s16  }
0x13: {  	s7 =	sadd.s32 s15, s9;
	s9 =	smax.u32 s10, $0x1;
	s17 =	sshrl.u32 s31, $0x3  }
0x14: {  	s18 =	sshrl.u32 s18, $0x3;
	s10 =	sadd.s32 $0xA, s7;
	s12 =	sadd.s32 $0x14, s7  }
0x15: {  	s16 =	sadd.s32 s17, s15;
	s17 =	sadd.s32 $0x1400, s8;
	s18 =	sadd.s32 s18, s15  }
.LBB2_1:
0x16: {  	[tilespmem:s20], [sflag:$0x5] =	stream.linear.gather [hbm4b:s14+s3], $0x2800, $0x38;
	[tilespmem:$0x18980] =	vst v63  }
0x17: {  	p0 =	sne.s32 s6, $0x1;
	_ =	swait.ge [sflag:s5], $0x2800  }
.Ltmp0:
0x18: {  	[sflag:s5] =	ssyncset.done $0x0;
	(pc) =	sbr.rel @!p0 .LBB2_3-.Ltmp0, $4  }
0x19: {  	[sflag:s5] =	ssyncadd.s32 $0xFFFFD800  }
0x1a: {  	[spmem:s0] =	stream.linear.scatter [tilespmem:s20], [sflag:$0x5], $0x2800, $0x38;
	[tilespmem:$0x18980] =	vst v63  }
0x1b: {  	s30 =	sadd.s32 $0xFFFFFFFF, s6;
	_ =	swait.ge [sflag:s5], $0x2800  }
0x1c: {  	s15 =	smov.u32 s14;
	s31 =	smov.u32 s0;
	[sflag:s5] =	ssyncset.done $0x0  }
.LBB2_2:
0x1d: {  	[sflag:s5] =	ssyncadd.s32 $0xFFFFD800;
	s15 =	sadd.s32 $0x500, s15;
	s31 =	sadd.s32 $0x2800, s31  }
0x1e: {  	[tilespmem:s20], [sflag:$0x5] =	stream.linear.gather [hbm4b:s15+s3], $0x2800, $0x38;
	[tilespmem:$0x18980] =	vst v63  }
0x1f: {  	p1 =	sne.s32 s30, $0x1;
	s30 =	sadd.s32 $0xFFFFFFFF, s30;
	_ =	swait.ge [sflag:s5], $0x2800  }
.Ltmp1:
0x20: {  	[sflag:s5] =	ssyncset.done $0x0;
	(pc) =	sbr.rel @p1 .LBB2_2-.Ltmp1, $4  }
0x21: {  	[sflag:s5] =	ssyncadd.s32 $0xFFFFD800  }
0x22: {  	[spmem:s31] =	stream.linear.scatter [tilespmem:s20], [sflag:$0x5], $0x2800, $0x38;
	[tilespmem:$0x18980] =	vst v63  }
0x23: {  	_ =	swait.ge [sflag:s5], $0x2800  }
0x24: {  	[sflag:s5] =	ssyncset.done $0x0  }
.LBB2_3:
0x25: {  	[sflag:s5] =	ssyncadd.s32 $0xFFFFD800  }
0x26: {  	s30 =	simm.s32 $0x0;
	[bflag:$0x0] =	sbarrier.arrive $0xFFFF  }
0x27: {  	[tilespmem:s30], [sflag:$0x1] =	stream.linear.gather [hbm4b:s7+s30], $0x50, $0x38;
	[tilespmem:$0x18980] =	vst v63  }
0x28: {  	_ = 	snop  }
0x29: {  	[tilespmem:s20], [sflag:$0x1] =	stream.linear.gather [hbm4b:s8+s30], $0x2800, $0x38;
	[tilespmem:$0x18980] =	vst v63  }
0x2a: {  	_ = 	snop  }
0x2b: {  	[tilespmem:s21], [sflag:$0x2] =	stream.linear.gather [hbm4b:s10+s30], $0x50, $0x38;
	[tilespmem:$0x18980] =	vst v63  }
0x2c: {  	_ = 	snop  }
0x2d: {  	[tilespmem:s22], [sflag:$0x2] =	stream.linear.gather [hbm4b:s11+s30], $0x2800, $0x38;
	[tilespmem:$0x18980] =	vst v63  }
0x2e: {  	_ =	swait.ge [sflag:s23], $0x50  }
0x2f: {  	[sflag:s23] =	ssyncset.done $0x0  }
0x30: {  	[sflag:s23] =	ssyncadd.s32 $0xFFFFFFB0  }
0x31: {  	_ =	swait.ge [sflag:s23], $0x2800  }
0x32: {  	[sflag:s23] =	ssyncset.done $0x0  }
0x33: {  	[sflag:s23] =	ssyncadd.s32 $0xFFFFD800  }
0x34: {  	[spmem:s1] =	stream.indirect.scatter.add.f32 [tilespmem:s20], [sflag:$0x3], $0x80, s30, s24, $0xb8;
	[tilespmem:$0x18980] =	vst v63  }
0x35: {  	_ =	swait.ge [sflag:s25], $0x50  }
0x36: {  	[sflag:s25] =	ssyncset.done $0x0  }
0x37: {  	[sflag:s25] =	ssyncadd.s32 $0xFFFFFFB0  }
0x38: {  	_ =	swait.ge [sflag:s25], $0x2800  }
0x39: {  	[sflag:s25] =	ssyncset.done $0x0  }
0x3a: {  	[sflag:s25] =	ssyncadd.s32 $0xFFFFD800  }
0x3b: {  	[spmem:s1] =	stream.indirect.scatter.add.f32 [tilespmem:s22], [sflag:$0x4], $0x80, s21, s24, $0xb8;
	[tilespmem:$0x18980] =	vst v63  }
0x3c: {  	_ =	swait.ge [sflag:s26], $0x2800  }
0x3d: {  	[sflag:s26] =	ssyncset.done $0x0  }
0x3e: {  	[sflag:s26] =	ssyncadd.s32 $0xFFFFD800  }
0x3f: {  	[tilespmem:s30], [sflag:$0x1] =	stream.linear.gather [hbm4b:s12+s30], $0x50, $0x38;
	[tilespmem:$0x18980] =	vst v63  }
0x40: {  	s31 =	smov.u32 s17  }
0x41: {  	[tilespmem:s20], [sflag:$0x1] =	stream.linear.gather [hbm4b:s13+s30], $0x2800, $0x38;
	[tilespmem:$0x18980] =	vst v63  }
.LBB2_4:
0x42: {  	_ =	swait.ge [sflag:s28], $0x2800  }
0x43: {  	[sflag:s28] =	ssyncset.done $0x0  }
0x44: {  	s15 =	sadd.s32 s30, s18;
	[sflag:s28] =	ssyncadd.s32 $0xFFFFD800  }
0x45: {  	[tilespmem:s21], [sflag:$0x2] =	stream.linear.gather [hbm4b:s15+s3], $0x50, $0x38;
	[tilespmem:$0x18980] =	vst v63  }
0x46: {  	s2 =	sadd.s32 $0xFFFFFB00, s31  }
0x47: {  	[tilespmem:s22], [sflag:$0x2] =	stream.linear.gather [hbm4b:s2+s3], $0x2800, $0x38;
	[tilespmem:$0x18980] =	vst v63  }
0x48: {  	_ =	swait.ge [sflag:s23], $0x50  }
0x49: {  	[sflag:s23] =	ssyncset.done $0x0  }
0x4a: {  	[sflag:s23] =	ssyncadd.s32 $0xFFFFFFB0  }
0x4b: {  	_ =	swait.ge [sflag:s23], $0x2800  }
0x4c: {  	[sflag:s23] =	ssyncset.done $0x0  }
0x4d: {  	[sflag:s23] =	ssyncadd.s32 $0xFFFFD800  }
0x4e: {  	[spmem:s1] =	stream.indirect.scatter.add.f32 [tilespmem:s20], [sflag:$0x3], $0x80, s3, s24, $0xb8;
	[tilespmem:$0x18980] =	vst v63  }
0x4f: {  	_ =	swait.ge [sflag:s25], $0x50  }
0x50: {  	[sflag:s25] =	ssyncset.done $0x0  }
0x51: {  	[sflag:s25] =	ssyncadd.s32 $0xFFFFFFB0  }
0x52: {  	_ =	swait.ge [sflag:s25], $0x2800  }
0x53: {  	p1 =	seq.s32 s30, $0x99C;
	[sflag:s25] =	ssyncset.done $0x0  }
.Ltmp2:
0x54: {  	[sflag:s25] =	ssyncadd.s32 $0xFFFFD800;
	(pc) =	sbr.rel @p1 .LBB2_6-.Ltmp2, $4  }
0x55: {  	[spmem:s1] =	stream.indirect.scatter.add.f32 [tilespmem:s22], [sflag:$0x4], $0x80, s21, s24, $0xb8;
	[tilespmem:$0x18980] =	vst v63  }
0x56: {  	_ =	swait.ge [sflag:s26], $0x2800  }
0x57: {  	[sflag:s26] =	ssyncset.done $0x0  }
0x58: {  	[sflag:s26] =	ssyncadd.s32 $0xFFFFD800  }
.Ltmp3:
0x59: {  	s15 =	sadd.s32 s30, s16;
	(pc) =	sbr.rel .LBB2_4-.Ltmp3, $4  }
0x5a: {  	[tilespmem:s3], [sflag:$0x1] =	stream.linear.gather [hbm4b:s15+s3], $0x50, $0x38;
	[tilespmem:$0x18980] =	vst v63  }
0x5b: {  	_ = 	snop  }
0x5c: {  	[tilespmem:s20], [sflag:$0x1] =	stream.linear.gather [hbm4b:s31+s3], $0x2800, $0x38;
	[tilespmem:$0x18980] =	vst v63  }
0x5d: {  	s30 =	sadd.s32 $0x14, s30;
	s31 =	sadd.s32 $0xA00, s31  }
.LBB2_6:
0x5e: {  	_ =	swait.ge [sflag:s28], $0x2800  }
0x5f: {  	[sflag:s28] =	ssyncset.done $0x0  }
0x60: {  	[sflag:s28] =	ssyncadd.s32 $0xFFFFD800  }
0x61: {  	[bflag:$0x0] =	sbarrier.arrive $0xFFFF  }
0x62: {  	[tilespmem:s20], [sflag:$0x5] =	stream.linear.gather [spmem:s0], $0x2800, $0x38;
	[tilespmem:$0x18980] =	vst v63  }
0x63: {  	_ =	swait.ge [sflag:s5], $0x2800  }
.Ltmp4:
0x64: {  	s15 =	sshrl.u32 s19, $0x3;
	[sflag:s5] =	ssyncset.done $0x0;
	(pc) =	sbr.rel @!p0 .LBB2_8-.Ltmp4, $4  }
0x65: {  	s15 =	sadd.s32 s4, s15;
	[sflag:s5] =	ssyncadd.s32 $0xFFFFD800  }
0x66: {  	[hbm4b:s15+s3] =	stream.linear.scatter [tilespmem:s20], [sflag:$0x5], $0x2800, $0x38;
	[tilespmem:$0x18980] =	vst v63  }
0x67: {  	s30 =	sadd.s32 $0xFFFFFFFF, s6;
	_ =	swait.ge [sflag:s5], $0x2800  }
0x68: {  	s31 =	smov.u32 s19;
	s15 =	smov.u32 s0;
	[sflag:s5] =	ssyncset.done $0x0  }
.LBB2_7:
0x69: {  	[sflag:s5] =	ssyncadd.s32 $0xFFFFD800;
	s31 =	sadd.s32 $0x2800, s31;
	s15 =	sadd.s32 $0x2800, s15  }
0x6a: {  	[tilespmem:s20], [sflag:$0x5] =	stream.linear.gather [spmem:s15], $0x2800, $0x38;
	[tilespmem:$0x18980] =	vst v63  }
0x6b: {  	p0 =	sne.s32 s30, $0x1;
	s30 =	sadd.s32 $0xFFFFFFFF, s30;
	_ =	swait.ge [sflag:s5], $0x2800  }
.Ltmp5:
0x6c: {  	s2 =	sshrl.u32 s31, $0x3;
	[sflag:s5] =	ssyncset.done $0x0;
	(pc) =	sbr.rel @p0 .LBB2_7-.Ltmp5, $4  }
0x6d: {  	s2 =	sadd.s32 s4, s2;
	[sflag:s5] =	ssyncadd.s32 $0xFFFFD800  }
0x6e: {  	[hbm4b:s2+s3] =	stream.linear.scatter [tilespmem:s20], [sflag:$0x5], $0x2800, $0x38;
	[tilespmem:$0x18980] =	vst v63  }
0x6f: {  	_ =	swait.ge [sflag:s5], $0x2800  }
0x70: {  	[sflag:s5] =	ssyncset.done $0x0  }
.LBB2_8:
0x71: {  	s29 =	sadd.s32 $0x1, s29  }
0x72: {  	p0 =	sne.s32 s29, s9  }
.Ltmp6:
0x73: {  	_ = 	snop;
	(pc) =	sbr.rel @p0 .LBB2_1-.Ltmp6, $2  }
0x74: {  	_ =	sdelay $0x2  }
0x75: {  	[sflag:s5] =	ssyncadd.s32 $0xFFFFD800  }
0x76: {  	_ =	sfence.sel $0x180000  }
0x77: {  	[bflag:$0x0] =	sbarrier.arrive $0xFFFF  }
0x78: {  	_ =	strace $0x9000004A  }
0x79: {  	s0 =	stileid.u32;
	[bflag:$0x2] =	sbarrier.arrive $0xFFFF  }
0x7a: {  	p0 =	sne.s32 s0, $0x0;
	s0 =	rddreg [dreg:$0x4]  }
0x7b: {  	s0 =	sadd.s32 @!p0 $0x100000, s0  }
0x7c: {  	[sflag:s0] =	ssyncadd.tile.s32 @!p0 $0x1;
	_ =	shalt  }
.Lfunc_end2:
_tile_overlayer_lowered:
.L_overlay_start_2:
0x7d: {  	(tag) =	ssettag $0x2  }
0x7e: {  	s0 =	rddreg [dreg:$0x0];
	s2 =	stileid.u32  }
0x7f: {  	s1 =	rddreg [dreg:$0x1];
	p0 =	sne.s32 s2, $0x0  }
0x80: {  	s3 =	rddreg [dreg:$0x2];
	[bflag:$0x3] =	sbarrier.arrive $0xFFFF;
	s2 =	simm.s32 @!p0 $0x1C05  }
0x81: {  	[timem:s3], [sflag:s2] =	dma.local @!p0 [hbm:s0], s1  }
0x82: {  	s0 =	simm.s32 @!p0 $0x5  }
0x83: {  	_ =	swait.ge @!p0 [sflag:s0], s1  }
0x84: {  	s1 =	ssub.s32 @!p0 $0x0, s1;
	[sflag:s0] =	ssyncset.done @!p0 $0x0  }
0x85: {  	[sflag:s0] =	ssyncadd.s32 @!p0 s1  }
0x86: {  	[bflag:$0x3] =	sbarrier.arrive $0xFFFF  }
0x87: {  	_ =	shalt  }

// kernel: kernel.7.cloned.1.call-start
scs
__scs_entry_jumppad:
0x0: {  	(pc) =	sbr.rel $0x88, $3  }
0x1: {  	(tag) =	ssettag $0x0;
	lr =	simm.s32 $0x1  }
0x2: {  	[smem:$0x3F99] =	sst lr;
	_ =	strace $0xD0000000  }
0x3: {  	_ = 	snop  }
0x4: {  	_ = 	snop  }
0x5: {  	_ = 	snop  }
0x6: {  	_ = 	snop  }
0x7: {  	_ = 	snop  }
__scs_overlays_trampoline_lowered:
0x8: {  	[smem:$0x3FA8] =	sst s0  }
0x9: {  	[smem:$0x3FA9] =	sst s1  }
0xa: {  	[smem:$0x3FAA] =	sst s2  }
0xb: {  	[smem:$0x3FAB] =	sst s3  }
0xc: {  	[smem:$0x3FAC] =	sst s4  }
0xd: {  	[smem:$0x3FAD] =	sst s5  }
0xe: {  	[smem:$0x3FAE] =	sst s6  }
0xf: {  	[smem:$0x3FAF] =	sst s7  }
0x10: {  	[smem:$0x3FB0] =	sst s8  }
0x11: {  	[smem:$0x3FB1] =	sst s9;
	s0 =	simm.s32 @!p0 $0x0  }
0x12: {  	s1 =	sld [smem:$0x3F97];
	s0 =	simm.s32 @p0 $0x1  }
0x13: {  	[smem:$0x3FB2] =	sst s0;
	s0 =	simm.s32 @!p1 $0x0  }
0x14: {  	s2 =	sld [smem:$0x3F96];
	s0 =	simm.s32 @p1 $0x1  }
0x15: {  	[smem:$0x3FB3] =	sst s0;
	s0 =	simm.s32 @!p2 $0x0  }
0x16: {  	s3 =	sld [smem:$0x3FDB];
	s0 =	simm.s32 @p2 $0x1  }
0x17: {  	s4 =	simm.s32 $0x1BF5;
	[smem:$0x3FB5] =	sst s0  }
0x18: {  	s0 =	sld [smem:$0x3F98];
	_ =	swait.ge [sflag:s4], $0x0  }
0x19: {  	s7 =	sld [smem:$0x3F99]  }
0x1a: {  	s8 =	sadd.s32 $0xFFFFE003, lr  }
0x1b: {  	s9 =	sadd.s32 $0xFFFFFEF7, lr;
	s5 =	simm.s32 $0xFFFFFFFF;
	p2 =	slt.u32 s8, $0xFFFFF086  }
0x1c: {  	p1 =	slt.u32 s9, $0xF7A;
	s5 =	simm.s32 @!p2 $0x0  }
0x1d: {  	s5 =	simm.s32 @p1 $0x1;
	p0 =	seq.s32 s7, s2  }
0x1e: {  	s7 =	smul.u32 @!p0 $0xF7A, s2;
	p2 =	seq.s32 @!p0 s5, $0x0  }
0x1f: {  	s9 =	smul.u32 $0xF7A, s1;
	s8 =	simm.s32 @!p0 $0x1BF5;
	p2 =	por !p2, p0  }
0x20: {  	[sflag:s8] =	ssyncset.s32 @!p0 $0xFFFFF086;
	s6 =	sadd.s32 @!p0 s3, s7;
	s7 =	simm.s32 @!p0 $0x108  }
0x21: {  	s3 =	sadd.s32 s3, s9;
	s6 =	sadd.s32 @!p0 $0x88, s6;
	s7 =	simm.s32 @p2 $0x1082  }
0x22: {  	[simem:s7], [sflag:s8] =	dma.local @!p0 [hbm:s6], $0xF7A  }
0x23: {  	s9 =	sor.u32 $0xD0000000, s2;
	s6 =	simm.s32 $0x108;
	_ =	swait.ge @!p0 [sflag:s8], $0x0  }
0x24: {  	s3 =	sadd.s32 $0x88, s3;
	s6 =	simm.s32 @!p1 $0x1082;
	[sflag:s4] =	ssyncset.s32 $0xFFFFF086  }
0x25: {  	[simem:s6], [sflag:s4] =	dma.local [hbm:s3], $0xF7A  }
0x26: {  	[smem:$0x3F99] =	sst s1;
	(tag) =	ssettag s2;
	_ =	strace s9  }
0x27: {  	s1 =	sld [smem:$0x3FA9]  }
0x28: {  	s2 =	sld [smem:$0x3FAA]  }
0x29: {  	s4 =	sld [smem:$0x3FAC]  }
0x2a: {  	p0 =	seq.s32 s5, $0x0;
	s5 =	sld [smem:$0x3FAD]  }
0x2b: {  	s6 =	sld [smem:$0x3FAE]  }
0x2c: {  	s7 =	sld [smem:$0x3FAF]  }
0x2d: {  	s3 =	simm.s32 $0x108;
	s8 =	sld [smem:$0x3FB0]  }
0x2e: {  	s3 =	simm.s32 @!p0 $0x1082;
	s9 =	sld [smem:$0x3FB1]  }
0x2f: {  	lr =	sadd.s32 s0, s3;
	s0 =	sld [smem:$0x3FA8]  }
0x30: {  	s3 =	sld [smem:$0x3FAB]  }
0x31: {  	[smem:$0x3FB4] =	sst s10  }
0x32: {  	s10 =	sld [smem:$0x3FB2];
	_ =	sdelay $0x3  }
0x33: {  	p0 =	seq.s32 s10, $0x1;
	s10 =	sld [smem:$0x3FB4];
	_ =	sdelay $0x3  }
0x34: {  	[smem:$0x3FB4] =	sst s10  }
0x35: {  	s10 =	sld [smem:$0x3FB3];
	_ =	sdelay $0x3  }
0x36: {  	p1 =	seq.s32 s10, $0x1;
	s10 =	sld [smem:$0x3FB4];
	_ =	sdelay $0x3  }
0x37: {  	[smem:$0x3FB4] =	sst s10  }
0x38: {  	s10 =	sld [smem:$0x3FB5]  }
0x39: {  	_ = 	snop;
	(pc) =	sbr.ind lr, $3  }
0x3a: {  	_ = 	snop  }
0x3b: {  	_ = 	snop  }
0x3c: {  	p2 =	seq.s32 s10, $0x1;
	s10 =	sld [smem:$0x3FB4]  }
0x3d: {  	_ =	shalt  }
0x3e: {  	_ =	shalt  }
0x3f: {  	_ =	shalt  }
0x40: {  	_ =	shalt  }
0x41: {  	_ =	shalt  }
0x42: {  	_ =	shalt  }
0x43: {  	_ =	shalt  }
0x44: {  	_ =	shalt  }
0x45: {  	_ =	shalt  }
0x46: {  	_ =	shalt  }
0x47: {  	_ =	shalt  }
0x48: {  	_ =	shalt  }
0x49: {  	_ =	shalt  }
0x4a: {  	_ =	shalt  }
0x4b: {  	_ =	shalt  }
0x4c: {  	_ =	shalt  }
0x4d: {  	_ =	shalt  }
0x4e: {  	_ =	shalt  }
0x4f: {  	_ =	shalt  }
0x50: {  	_ =	shalt  }
0x51: {  	_ =	shalt  }
0x52: {  	_ =	shalt  }
0x53: {  	_ =	shalt  }
0x54: {  	_ =	shalt  }
0x55: {  	_ =	shalt  }
0x56: {  	_ =	shalt  }
0x57: {  	_ =	shalt  }
0x58: {  	_ =	shalt  }
0x59: {  	_ =	shalt  }
0x5a: {  	_ =	shalt  }
0x5b: {  	_ =	shalt  }
0x5c: {  	_ =	shalt  }
0x5d: {  	_ =	shalt  }
0x5e: {  	_ =	shalt  }
0x5f: {  	_ =	shalt  }
0x60: {  	_ =	shalt  }
0x61: {  	_ =	shalt  }
0x62: {  	_ =	shalt  }
0x63: {  	_ =	shalt  }
0x64: {  	_ =	shalt  }
0x65: {  	_ =	shalt  }
0x66: {  	_ =	shalt  }
0x67: {  	_ =	shalt  }
0x68: {  	_ =	shalt  }
0x69: {  	_ =	shalt  }
0x6a: {  	_ =	shalt  }
0x6b: {  	_ =	shalt  }
0x6c: {  	_ =	shalt  }
0x6d: {  	_ =	shalt  }
0x6e: {  	_ =	shalt  }
0x6f: {  	_ =	shalt  }
0x70: {  	_ =	shalt  }
0x71: {  	_ =	shalt  }
0x72: {  	_ =	shalt  }
0x73: {  	_ =	shalt  }
0x74: {  	_ =	shalt  }
0x75: {  	_ =	shalt  }
0x76: {  	_ =	shalt  }
0x77: {  	_ =	shalt  }
0x78: {  	_ =	shalt  }
0x79: {  	_ =	shalt  }
0x7a: {  	_ =	shalt  }
0x7b: {  	_ =	shalt  }
0x7c: {  	_ =	shalt  }
0x7d: {  	_ =	shalt  }
0x7e: {  	_ =	shalt  }
0x7f: {  	_ =	shalt  }
0x80: {  	_ =	shalt  }
0x81: {  	_ =	shalt  }
0x82: {  	_ =	shalt  }
0x83: {  	_ =	shalt  }
0x84: {  	_ =	shalt  }
0x85: {  	_ =	shalt  }
0x86: {  	_ =	shalt  }
0x87: {  	_ =	shalt  }
.Lfunc_end0:
.L_simem_size_0:
called_computation_lowered:
.L_overlay_start_0:
0x88: {  	s2 =	sld [smem:$0x3FD9]  }
0x89: {  	s3 =	sld [smem:$0x3FFE];
	_ =	sdelay $0x1  }
0x8a: {  	s1 =	srdreg.scid  }
0x8b: {  	s0 =	sand.u32 $0x1, s1  }
0x8c: {  	s14 =	sshll.u32 s0, $0xA;
	s2 =	sadd.s32 s3, s2  }
0x8d: {  	s2 =	sadd.s32 s2, s14  }
0x8e: {  	[smem:$0x3FC0] =	sst s2  }
0x8f: {  	_ = 	snop  }
0x90: {  	s2 =	sld [smem:$0x3FD0];
	_ =	sdelay $0x1  }
0x91: {  	s15 =	sld [smem:$0x3FC7]  }
0x92: {  	s5 =	simm.s32 $0xA;
	s6 =	simm.s32 $0x10;
	s4 =	sld [smem:$0x3FC6]  }
0x93: {  	[smem:s6], [sflag:s5] =	dma.local [hbm:s2], $0x1  }
0x94: {  	_ =	swait.eq [sflag:s5], $0x1  }
0x95: {  	[sflag:s5] =	ssyncset.done $0x0  }
0x96: {  	s16 =	sld [smem:$0x10];
	[sflag:s5] =	ssyncadd.s32 $0xFFFFFFFF  }
0x97: {  	s17 =	sld [smem:$0x11];
	(tm) =	ssettm $0x1  }
0x98: {  	s18 =	sld [smem:$0x3FFB];
	_ =	sdelay $0x3  }
0x99: {  	_ =	strace s18  }
0x9a: {  	s6 =	sld [smem:$0x3FFC];
	_ =	sdelay $0x3  }
0x9b: {  	_ =	strace s6  }
0x9c: {  	s6 =	sld [smem:$0x3FFD];
	_ =	sdelay $0x3  }
0x9d: {  	_ =	strace s6  }
0x9e: {  	_ =	strace $0x8FFFFFFF  }
0x9f: {  	s19 =	sld [smem:$0x3FDB];
	_ =	sdelay $0x1  }
0xa0: {  	s7 =	simm.s32 $_scs_section_size  }
0xa1: {  	s8 =	simm.s32 $_size__tile_overlayer_lowered;
	s9 =	simm.s32 $_tile_overlayer_lowered  }
0xa2: {  	s22 =	simm.s32 $0x1BFF;
	s21 =	sshll.u32 s9, $0x1;
	s6 =	sadd.s32 s7, s19  }
0xa3: {  	s10 =	simm.s32 $0x0;
	s20 =	sshll.u32 s8, $0x1;
	s8 =	sadd.s32 s21, s6  }
0xa4: {  	[timem:s10], [sflag:s22] =	dma.local [hbm:s8], s20  }
0xa5: {  	_ =	swait.ge [sflag:s22], s20  }
0xa6: {  	s7 =	ssub.s32 $0x0, s20;
	[sflag:s22] =	ssyncset.done $0x0  }
0xa7: {  	[sflag:s22] =	ssyncadd.s32 s7;
	_ =	sdelay $0x1  }
0xa8: {  	s23 =	simm.s32 $0x1B8B  }
0xa9: {  	_ =	swait.ge [sflag:s23], $0x1  }
0xaa: {  	[sflag:s23] =	ssyncset.done $0x0  }
0xab: {  	s25 =	simm.s32 $0x1B8E;
	s24 =	sld [smem:$0x3FFE];
	[sflag:s23] =	ssyncadd.s32 $0xFFFFFFFF  }
0xac: {  	s26 =	simm.s32 $execute0_lowered;
	[smem:$0x3FD2] =	sst s25  }
0xad: {  	s8 =	sshll.u32 s26, $0x1;
	_ =	strace $0x80000046;
	[dreg:$0x1] =	wrdreg $0xFFFFFFFF  }
0xae: {  	s28 =	simm.s32 $_size_execute0_lowered;
	s6 =	sadd.s32 s6, s8;
	[dreg:$0x0] =	wrdreg $0x0  }
0xaf: {  	s8 =	sshll.u32 s28, $0x1;
	[dreg:$0x2] =	wrdreg s6  }
0xb0: {  	[dreg:$0x3] =	wrdreg s8  }
0xb1: {  	[dreg:$0x4] =	wrdreg $0xC0  }
0xb2: {  	_ =	task [dreg:s10], $0x5FFFF  }
0xb3: {  	[dreg:$0x1] =	wrdreg $0xFFFFFFFF  }
0xb4: {  	[dreg:$0x0] =	wrdreg $0x60  }
0xb5: {  	[dreg:$0x2] =	wrdreg s17  }
0xb6: {  	[dreg:$0x3] =	wrdreg s16  }
0xb7: {  	[dreg:$0x4] =	wrdreg s15  }
0xb8: {  	[dreg:$0x5] =	wrdreg s4  }
0xb9: {  	[dreg:$0x6] =	wrdreg s24  }
0xba: {  	[dreg:$0x7] =	wrdreg $0x9  }
0xbb: {  	_ =	task.clear_ibuf [dreg:s10], $0x8FFFF;
	_ =	strace $0x90000046  }
0xbc: {  	s29 =	simm.s32 $0x9;
	_ =	strace $0x80000048  }
0xbd: {  	_ =	swait.ge [sflag:s29], $0x1  }
0xbe: {  	[sflag:s29] =	ssyncadd.s32 $0xFFFFFFFF  }
0xbf: {  	_ =	strace $0x90000048  }
0xc0: {  	_ =	sfence  }
0xc1: {  	s30 =	sld [smem:$0x0];
	_ =	sdelay $0x2  }
0xc2: {  	s31 =	sshll.u32 s1, $0xD;
	s1 =	sshrl.u32 s1, $0x2  }
0xc3: {  	s3 =	sand.u32 $0x4000, s31;
	s1 =	sadd.s32 s1, s30  }
0xc4: {  	s0 =	sor.u32 s3, s0;
	s1 =	sshll.u32 s1, $0x11  }
0xc5: {  	s0 =	sor.u32 s1, s0  }
0xc6: {  	s0 =	sadd.s32 $0x8F2B, s0  }
0xc7: {  	[sflag:s0] =	ssyncadd.remote.s32 $0x1  }
0xc8: {  	_ =	sfence.sel $0xFFFF  }
0xc9: {  	[dreg:$0x0] =	wrdreg $0xFFFFFFFF;
	(pc) =	sbr.abs _section_cstart, $3  }
0xca: {  	[dreg:$0x1] =	wrdreg $0xFFFFFFFF  }
0xcb: {  	_ =	task.clear_ibuf [dreg:s10], $0x2FFFF;
	_ =	strace $0x9FFFFFFF  }
0xcc: {  	(tm) =	ssettm $0x7FFFFFFF  }
0xcd: {  	_ =	shalt  }
tec
execute0_lowered:
.L_overlay_start_1:
0x0: {  	(tag) =	ssettag $0x1  }
0x1: {  	s1 =	rddreg [dreg:$0x0]  }
0x2: {  	s2 =	rddreg [dreg:$0x1]  }
0x3: {  	s3 =	rddreg [dreg:$0x2]  }
0x4: {  	s4 =	srdreg.scid;
	s8 =	rddreg [dreg:$0x3]  }
0x5: {  	s0 =	stileid.u32;
	s7 =	rddreg [dreg:$0x4];
	s12 =	simm.s32 $0x28  }
0x6: {  	s13 =	simm.s32 $0x4F00;
	s14 =	simm.s32 $0x7700;
	s15 =	simm.s32 $0x6300  }
0x7: {  	s16 =	simm.s32 $0x8B00;
	s17 =	simm.s32 $0x1;
	s18 =	simm.s32 $0x3  }
0x8: {  	s19 =	simm.s32 $0x9F00;
	s20 =	simm.s32 $0x2;
	s21 =	simm.s32 $0x4  }
0x9: {  	s22 =	simm.s32 $0xB300;
	s23 =	simm.s32 $0x5;
	s24 =	simm.s32 $0x6  }
0xa: {  	s25 =	simm.s32 $0x0;
	s6 =	sand.u32 $0x1, s4;
	s31 =	sshll.u32 s0, $0x1  }
0xb: {  	s4 =	simm.s32 $0x0;
	s5 =	sor.u32 s6, s31;
	s9 =	ssub.s32 $0x2, s6  }
0xc: {  	[smem:$0x7FF] =	sst s4;
	s5 =	smul.u32 $0x2710, s5;
	s10 =	sshrl.u32 s9, $0x1  }
0xd: {  	s6 =	sadd.s32 $0x2200, s7;
	_ =	strace $0x80000047;
	s9 =	ssub.s32 s9, s10  }
0xe: {  	s10 =	simm.s32 $0x7;
	s11 =	sshrl.u32 s5, $0x3;
	s9 =	smax.u32 s9, $0x1  }
0xf: {  	s7 =	sadd.s32 s3, s11;
	s8 =	sadd.s32 s8, s11;
	s11 =	simm.s32 $0x2780  }
.LBB2_1:
0x10: {  	[tilespmem:s4], [sflag:$0x7] =	stream.linear.gather [hbm4b:s7+s4], $0x2710, $0x38;
	[tilespmem:$0xC700] =	vst v63  }
0x11: {  	_ =	swait.ge [sflag:s10], $0x2710  }
0x12: {  	[sflag:s10] =	ssyncset.done $0x0  }
0x13: {  	[sflag:s10] =	ssyncadd.s32 $0xFFFFD8F0  }
0x14: {  	[tilespmem:s11], [sflag:$0x7] =	stream.linear.gather [hbm4b:s8+s4], $0x2710, $0x38;
	[tilespmem:$0xC700] =	vst v63  }
0x15: {  	_ =	swait.ge [sflag:s10], $0x2710  }
0x16: {  	[sflag:s10] =	ssyncset.done $0x0  }
0x17: {  	[sflag:s10] =	ssyncadd.s32 $0xFFFFD8F0  }
0x18: {  	[tilespmem:s13], [sflag:$0x1] =	stream.indirect.gather [hbm4b:s1+s12], $0x80, s4, s12, $0xb8;
	[tilespmem:$0xC700] =	vst v63  }
0x19: {  	s26 =	simm.s32 $0x0  }
0x1a: {  	[tilespmem:s14], [sflag:$0x3] =	stream.indirect.gather [hbm4b:s2+s12], $0x80, s11, s12, $0xb8;
	[tilespmem:$0xC700] =	vst v63  }
.LBB2_2:
0x1b: {  	s29 =	smul.u32 $0x50, s26;
	_ =	sdelay $0x1  }
0x1c: {  	s28 =	sadd.s32 $0x28, s29  }
0x1d: {  	[tilespmem:s15], [sflag:$0x2] =	stream.indirect.gather [hbm4b:s1+s12], $0x80, s28, s12, $0xb8;
	[tilespmem:$0xC700] =	vst v63  }
0x1e: {  	s3 =	sadd.s32 $0x27A8, s29  }
0x1f: {  	[tilespmem:s16], [sflag:$0x4] =	stream.indirect.gather [hbm4b:s2+s12], $0x80, s3, s12, $0xb8;
	[tilespmem:$0xC700] =	vst v63  }
0x20: {  	_ =	swait.ge [sflag:s17], $0x1400  }
0x21: {  	[sflag:s17] =	ssyncset.done $0x0  }
0x22: {  	[sflag:s17] =	ssyncadd.s32 $0xFFFFEC00  }
0x23: {  	_ =	swait.ge [sflag:s18], $0x1400  }
0x24: {  	p0 =	seq.s32 s26, $0x0;
	[sflag:s18] =	ssyncset.done $0x0  }
0x25: {  	s3 =	simm.s32 @!p0 $0x5;
	[sflag:s18] =	ssyncadd.s32 $0xFFFFEC00  }
0x26: {  	_ =	swait.ge @!p0 [sflag:s3], $0x1400  }
0x27: {  	[sflag:s3] =	ssyncset.done @!p0 $0x0  }
0x28: {  	s30 =	simm.s32 $0x0;
	[sflag:s3] =	ssyncadd.s32 @!p0 $0xFFFFEC00  }
0x29: {  	v0 =	vld [tilespmem:s30+$0x4F70]  }
0x2a: {  	v1 =	vld [tilespmem:s30+$0x7770]  }
0x2b: {  	v2 =	vld [tilespmem:s30+$0x4F00]  }
0x2c: {  	v3 =	vld [tilespmem:s30+$0x7700]  }
0x2d: {  	v4 =	vld [tilespmem:s30+$0x4F10]  }
0x2e: {  	v5 =	vld [tilespmem:s30+$0x7710]  }
0x2f: {  	v6 =	vld [tilespmem:s30+$0x4F20]  }
0x30: {  	v7 =	vld [tilespmem:s30+$0x4F30]  }
0x31: {  	v0 =	vadd.f32 v1, v0;
	v1 =	vld [tilespmem:s30+$0x7720]  }
0x32: {  	v8 =	vld [tilespmem:s30+$0x7730]  }
0x33: {  	v9 =	vld [tilespmem:s30+$0x7740];
	v2 =	vadd.f32 v3, v2  }
0x34: {  	[tilespmem:s30+$0x9F70] =	vst v0;
	v0 =	vadd.f32 v5, v4;
	v5 =	vld [tilespmem:s30+$0x4F40]  }
0x35: {  	v3 =	vld [tilespmem:s30+$0x7750];
	[tilespmem:s30+$0x9F00] =	vst v2  }
0x36: {  	v2 =	vld [tilespmem:s30+$0x4F50];
	[tilespmem:s30+$0x9F10] =	vst v0;
	v0 =	vadd.f32 v1, v6  }
0x37: {  	v4 =	vld [tilespmem:s30+$0x7760];
	v6 =	vadd.f32 v8, v7  }
0x38: {  	s31 =	simm.s32 $0x80;
	[tilespmem:s30+$0x9F20] =	vst v0;
	v0 =	vld [tilespmem:s30+$0x4F60]  }
0x39: {  	s3 =	simm.s32 $0x400;
	v5 =	vadd.f32 v9, v5;
	v1 =	vld [tilespmem:s31+$0x4F70];
	[tilespmem:s30+$0x9F30] =	vst v6  }
.LBB2_3:
0x3a: {  	p1 =	sne.s32 s3, $0x4E00;
	v6 =	vld [tilespmem:s31+$0x7770]  }
0x3b: {  	v7 =	vld [tilespmem:s31+$0x4F00];
	[tilespmem:s30+$0x9F40] =	vst v5;
	v2 =	vadd.f32 v3, v2  }
0x3c: {  	v3 =	vld [tilespmem:s31+$0x7700]  }
0x3d: {  	v5 =	vld [tilespmem:s31+$0x4F10];
	[tilespmem:s30+$0x9F50] =	vst v2;
	v0 =	vadd.f32 v4, v0  }
0x3e: {  	v2 =	vld [tilespmem:s31+$0x7710]  }
0x3f: {  	v4 =	vld [tilespmem:s31+$0x4F20];
	v1 =	vadd.f32 v6, v1;
	[tilespmem:s30+$0x9F60] =	vst v0;
	s30 =	smov.u32 s31  }
0x40: {  	v0 =	vld [tilespmem:s30+$0x7720]  }
0x41: {  	v3 =	vadd.f32 v3, v7;
	v6 =	vld [tilespmem:s30+$0x4F30];
	[tilespmem:s30+$0x9F70] =	vst v1  }
0x42: {  	v1 =	vld [tilespmem:s30+$0x7730]  }
0x43: {  	[tilespmem:s30+$0x9F00] =	vst v3;
	v2 =	vadd.f32 v2, v5;
	v5 =	vld [tilespmem:s30+$0x4F40]  }
0x44: {  	v7 =	vld [tilespmem:s30+$0x7740]  }
.Ltmp0:
0x45: {  	[tilespmem:s30+$0x9F10] =	vst v2;
	v0 =	vadd.f32 v0, v4;
	v2 =	vld [tilespmem:s30+$0x4F50];
	(pc) =	sbr.rel @p1 .LBB2_3-.Ltmp0, $4  }
0x46: {  	v3 =	vld [tilespmem:s30+$0x7750]  }
0x47: {  	[tilespmem:s30+$0x9F20] =	vst v0;
	v6 =	vadd.f32 v1, v6;
	v0 =	vld [tilespmem:s30+$0x4F60]  }
0x48: {  	s31 =	sshra.s32 s3, $0x2;
	v4 =	vld [tilespmem:s30+$0x7760]  }
0x49: {  	s3 =	sadd.s32 $0x200, s3;
	v1 =	vld [tilespmem:s31+$0x4F70];
	[tilespmem:s30+$0x9F30] =	vst v6;
	v5 =	vadd.f32 v7, v5  }
0x4a: {  	v6 =	vld [tilespmem:s31+$0x7770]  }
0x4b: {  	v7 =	vld [tilespmem:s31+$0x4F00];
	[tilespmem:s30+$0x9F40] =	vst v5;
	v2 =	vadd.f32 v3, v2  }
0x4c: {  	v3 =	vld [tilespmem:s31+$0x7700]  }
0x4d: {  	v5 =	vld [tilespmem:s31+$0x4F10];
	[tilespmem:s30+$0x9F50] =	vst v2;
	v0 =	vadd.f32 v4, v0  }
0x4e: {  	v2 =	vld [tilespmem:s31+$0x7710]  }
0x4f: {  	v4 =	vld [tilespmem:s31+$0x4F20];
	[tilespmem:s30+$0x9F60] =	vst v0  }
0x50: {  	v0 =	vadd.f32 v6, v1;
	v1 =	vld [tilespmem:s31+$0x7720]  }
0x51: {  	v6 =	vld [tilespmem:s31+$0x4F30]  }
0x52: {  	v3 =	vadd.f32 v3, v7;
	[tilespmem:s31+$0x9F70] =	vst v0;
	v0 =	vld [tilespmem:s31+$0x7730]  }
0x53: {  	v7 =	vld [tilespmem:s31+$0x7760]  }
0x54: {  	[tilespmem:s31+$0x9F00] =	vst v3;
	v2 =	vadd.f32 v2, v5;
	v3 =	vld [tilespmem:s31+$0x4F40]  }
0x55: {  	v5 =	vld [tilespmem:s31+$0x7740]  }
0x56: {  	[tilespmem:s31+$0x9F10] =	vst v2;
	v1 =	vadd.f32 v1, v4;
	v2 =	vld [tilespmem:s31+$0x4F50]  }
0x57: {  	v4 =	vld [tilespmem:s31+$0x7750]  }
0x58: {  	[tilespmem:s31+$0x9F20] =	vst v1;
	v1 =	vld [tilespmem:s31+$0x4F60];
	_ =	sdelay $0x1  }
0x59: {  	v0 =	vadd.f32 v0, v6  }
0x5a: {  	v3 =	vadd.f32 v5, v3  }
0x5b: {  	[tilespmem:s31+$0x9F30] =	vst v0;
	v0 =	vadd.f32 v4, v2  }
0x5c: {  	s3 =	sadd.s32 s5, s29;
	[tilespmem:s31+$0x9F40] =	vst v3;
	v1 =	vadd.f32 v7, v1  }
0x5d: {  	s3 =	sshll.u32 s3, $0x4;
	[tilespmem:s31+$0x9F50] =	vst v0  }
0x5e: {  	p1 =	seq.s32 s26, $0x7C;
	s3 =	sadd.s32 s6, s3;
	[tilespmem:s31+$0x9F60] =	vst v1  }
0x5f: {  	[hbm4b:s3+s4] =	stream.linear.scatter [tilespmem:s19], [sflag:$0x5], $0x1400, $0x38;
	[tilespmem:$0xC700] =	vst v63  }
0x60: {  	s30 =	simm.s32 @!p1 $0x28;
	s31 =	simm.s32 @!p1 $0x4F00;
	s3 =	sadd.s32 @!p1 $0x50, s29  }
0x61: {  	[tilespmem:s31], [sflag:$0x1] =	stream.indirect.gather @!p1 [hbm4b:s1+s30], $0x80, s3, s30, $0xb8;
	[tilespmem:$0xC700] =	vst v63  }
0x62: {  	s3 =	sadd.s32 @!p1 $0x27D0, s29;
	s29 =	simm.s32 @!p1 $0x7700  }
0x63: {  	[tilespmem:s29], [sflag:$0x3] =	stream.indirect.gather @!p1 [hbm4b:s2+s30], $0x80, s3, s30, $0xb8;
	[tilespmem:$0xC700] =	vst v63  }
0x64: {  	_ =	swait.ge [sflag:s20], $0x1400  }
0x65: {  	[sflag:s20] =	ssyncset.done $0x0  }
0x66: {  	[sflag:s20] =	ssyncadd.s32 $0xFFFFEC00  }
0x67: {  	_ =	swait.ge [sflag:s21], $0x1400  }
0x68: {  	[sflag:s21] =	ssyncset.done $0x0  }
0x69: {  	s3 =	simm.s32 @!p0 $0x6;
	[sflag:s21] =	ssyncadd.s32 $0xFFFFEC00  }
0x6a: {  	_ =	swait.ge @!p0 [sflag:s3], $0x1400  }
0x6b: {  	[sflag:s3] =	ssyncset.done @!p0 $0x0  }
0x6c: {  	s29 =	simm.s32 $0x0;
	[sflag:s3] =	ssyncadd.s32 @!p0 $0xFFFFEC00  }
0x6d: {  	v0 =	vld [tilespmem:s29+$0x6370]  }
0x6e: {  	v1 =	vld [tilespmem:s29+$0x8B70]  }
0x6f: {  	v2 =	vld [tilespmem:s29+$0x6300]  }
0x70: {  	v3 =	vld [tilespmem:s29+$0x8B00]  }
0x71: {  	v4 =	vld [tilespmem:s29+$0x6310]  }
0x72: {  	v5 =	vld [tilespmem:s29+$0x8B10]  }
0x73: {  	v6 =	vld [tilespmem:s29+$0x6320]  }
0x74: {  	v7 =	vld [tilespmem:s29+$0x6330]  }
0x75: {  	v0 =	vadd.f32 v1, v0;
	v1 =	vld [tilespmem:s29+$0x8B20]  }
0x76: {  	v8 =	vld [tilespmem:s29+$0x8B30]  }
0x77: {  	v9 =	vld [tilespmem:s29+$0x8B40];
	v2 =	vadd.f32 v3, v2  }
0x78: {  	[tilespmem:s29+$0xB370] =	vst v0;
	v0 =	vadd.f32 v5, v4;
	v5 =	vld [tilespmem:s29+$0x6340]  }
0x79: {  	v3 =	vld [tilespmem:s29+$0x8B50];
	[tilespmem:s29+$0xB300] =	vst v2  }
0x7a: {  	v2 =	vld [tilespmem:s29+$0x6350];
	[tilespmem:s29+$0xB310] =	vst v0;
	v0 =	vadd.f32 v1, v6  }
0x7b: {  	v4 =	vld [tilespmem:s29+$0x8B60];
	v6 =	vadd.f32 v8, v7  }
0x7c: {  	s30 =	simm.s32 $0x80;
	[tilespmem:s29+$0xB320] =	vst v0;
	v0 =	vld [tilespmem:s29+$0x6360]  }
0x7d: {  	s3 =	simm.s32 $0x400;
	v5 =	vadd.f32 v9, v5;
	v1 =	vld [tilespmem:s30+$0x6370];
	[tilespmem:s29+$0xB330] =	vst v6  }
.LBB2_5:
0x7e: {  	p0 =	sne.s32 s3, $0x4E00;
	v6 =	vld [tilespmem:s30+$0x8B70]  }
0x7f: {  	v7 =	vld [tilespmem:s30+$0x6300];
	[tilespmem:s29+$0xB340] =	vst v5;
	v2 =	vadd.f32 v3, v2  }
0x80: {  	v3 =	vld [tilespmem:s30+$0x8B00]  }
0x81: {  	v5 =	vld [tilespmem:s30+$0x6310];
	[tilespmem:s29+$0xB350] =	vst v2;
	v0 =	vadd.f32 v4, v0  }
0x82: {  	v2 =	vld [tilespmem:s30+$0x8B10]  }
0x83: {  	v4 =	vld [tilespmem:s30+$0x6320];
	v1 =	vadd.f32 v6, v1;
	[tilespmem:s29+$0xB360] =	vst v0;
	s29 =	smov.u32 s30  }
0x84: {  	v0 =	vld [tilespmem:s29+$0x8B20]  }
0x85: {  	v3 =	vadd.f32 v3, v7;
	v6 =	vld [tilespmem:s29+$0x6330];
	[tilespmem:s29+$0xB370] =	vst v1  }
0x86: {  	v1 =	vld [tilespmem:s29+$0x8B30]  }
0x87: {  	[tilespmem:s29+$0xB300] =	vst v3;
	v2 =	vadd.f32 v2, v5;
	v5 =	vld [tilespmem:s29+$0x6340]  }
0x88: {  	v7 =	vld [tilespmem:s29+$0x8B40]  }
.Ltmp1:
0x89: {  	[tilespmem:s29+$0xB310] =	vst v2;
	v0 =	vadd.f32 v0, v4;
	v2 =	vld [tilespmem:s29+$0x6350];
	(pc) =	sbr.rel @p0 .LBB2_5-.Ltmp1, $4  }
0x8a: {  	v3 =	vld [tilespmem:s29+$0x8B50]  }
0x8b: {  	[tilespmem:s29+$0xB320] =	vst v0;
	v6 =	vadd.f32 v1, v6;
	v0 =	vld [tilespmem:s29+$0x6360]  }
0x8c: {  	s30 =	sshra.s32 s3, $0x2;
	v4 =	vld [tilespmem:s29+$0x8B60]  }
0x8d: {  	s3 =	sadd.s32 $0x200, s3;
	v1 =	vld [tilespmem:s30+$0x6370];
	[tilespmem:s29+$0xB330] =	vst v6;
	v5 =	vadd.f32 v7, v5  }
0x8e: {  	v6 =	vld [tilespmem:s30+$0x8B70]  }
0x8f: {  	v7 =	vld [tilespmem:s30+$0x6300];
	[tilespmem:s29+$0xB340] =	vst v5;
	v2 =	vadd.f32 v3, v2  }
0x90: {  	v51 =	vld [tilespmem:s30+$0x8B00]  }
0x91: {  	v5 =	vld [tilespmem:s30+$0x6310];
	[tilespmem:s29+$0xB350] =	vst v2;
	v0 =	vadd.f32 v4, v0  }
0x92: {  	v2 =	vld [tilespmem:s30+$0x8B10]  }
0x93: {  	v52 =	vld [tilespmem:s30+$0x6320];
	[tilespmem:s29+$0xB360] =	vst v0  }
0x94: {  	v54 =	vld [tilespmem:s30+$0x8B20]  }
0x95: {  	v55 =	vld [tilespmem:s30+$0x6330]  }
0x96: {  	v56 =	vld [tilespmem:s30+$0x8B30]  }
0x97: {  	v57 =	vld [tilespmem:s30+$0x6340]  }
0x98: {  	v58 =	vld [tilespmem:s30+$0x8B40]  }
0x99: {  	v59 =	vld [tilespmem:s30+$0x6350]  }
0x9a: {  	v53 =	vadd.f32 v6, v1;
	v60 =	vld [tilespmem:s30+$0x8B50]  }
0x9b: {  	v61 =	vld [tilespmem:s30+$0x6360];
	v3 =	vadd.f32 v51, v7  }
0x9c: {  	v62 =	vld [tilespmem:s30+$0x8B60];
	[tilespmem:s30+$0xB370] =	vst v53;
	v2 =	vadd.f32 v2, v5  }
0x9d: {  	[tilespmem:s30+$0xB300] =	vst v3;
	v1 =	vadd.f32 v54, v52  }
0x9e: {  	s26 =	sadd.s32 $0x1, s26;
	[tilespmem:s30+$0xB310] =	vst v2;
	v0 =	vadd.f32 v56, v55  }
0x9f: {  	p0 =	sne.s32 s26, $0x7D;
	v3 =	vadd.f32 v58, v57;
	[tilespmem:s30+$0xB320] =	vst v1  }
.Ltmp2:
0xa0: {  	v63 =	vadd.f32 v60, v59;
	[tilespmem:s30+$0xB330] =	vst v0;
	(pc) =	sbr.rel @p0 .LBB2_2-.Ltmp2, $4  }
0xa1: {  	s3 =	sadd.s32 s5, s28;
	[tilespmem:s30+$0xB340] =	vst v3;
	v1 =	vadd.f32 v62, v61  }
0xa2: {  	s3 =	sshll.u32 s3, $0x4;
	[tilespmem:s30+$0xB350] =	vst v63  }
0xa3: {  	s3 =	sadd.s32 s6, s3;
	[tilespmem:s30+$0xB360] =	vst v1  }
0xa4: {  	[hbm4b:s3+s4] =	stream.linear.scatter [tilespmem:s22], [sflag:$0x6], $0x1400, $0x38;
	[tilespmem:$0xC700] =	vst v63  }
0xa5: {  	s25 =	sadd.s32 $0x1, s25  }
0xa6: {  	_ =	swait.ge [sflag:s23], $0x1400;
	p0 =	sne.s32 s25, s9  }
.Ltmp3:
0xa7: {  	[sflag:s23] =	ssyncset.done $0x0;
	(pc) =	sbr.rel @p0 .LBB2_1-.Ltmp3, $4  }
0xa8: {  	[sflag:s23] =	ssyncadd.s32 $0xFFFFEC00  }
0xa9: {  	_ =	swait.ge [sflag:s24], $0x1400  }
0xaa: {  	[sflag:s24] =	ssyncset.done $0x0  }
0xab: {  	[sflag:s24] =	ssyncadd.s32 $0xFFFFEC00  }
0xac: {  	_ =	sfence.sel $0x180000  }
0xad: {  	[bflag:$0x0] =	sbarrier.arrive $0xFFFF  }
0xae: {  	_ =	strace $0x90000047  }
0xaf: {  	[bflag:$0x2] =	sbarrier.arrive $0xFFFF  }
0xb0: {  	p0 =	sne.s32 s0, $0x0;
	s0 =	rddreg [dreg:$0x5]  }
0xb1: {  	s0 =	sadd.s32 @!p0 $0x100000, s0  }
0xb2: {  	[sflag:s0] =	ssyncadd.tile.s32 @!p0 $0x1;
	_ =	shalt  }
.Lfunc_end2:
_tile_overlayer_lowered:
.L_overlay_start_2:
0xb3: {  	(tag) =	ssettag $0x2  }
0xb4: {  	s0 =	rddreg [dreg:$0x0];
	s2 =	stileid.u32  }
0xb5: {  	s1 =	rddreg [dreg:$0x1];
	p0 =	sne.s32 s2, $0x0  }
0xb6: {  	s3 =	rddreg [dreg:$0x2];
	[bflag:$0x3] =	sbarrier.arrive $0xFFFF;
	s2 =	simm.s32 @!p0 $0x1C07  }
0xb7: {  	[timem:s3], [sflag:s2] =	dma.local @!p0 [hbm:s0], s1  }
0xb8: {  	s0 =	simm.s32 @!p0 $0x7  }
0xb9: {  	_ =	swait.ge @!p0 [sflag:s0], s1  }
0xba: {  	s1 =	ssub.s32 @!p0 $0x0, s1;
	[sflag:s0] =	ssyncset.done @!p0 $0x0  }
0xbb: {  	[sflag:s0] =	ssyncadd.s32 @!p0 s1  }
0xbc: {  	[bflag:$0x3] =	sbarrier.arrive $0xFFFF  }
0xbd: {  	_ =	shalt  }

</sc_bundles>
